<compile_context>
chip_gen: v7x
topology: tpu7x:2x2x1
jax: 0.10.2.dev20260603
libtpu: 0.0.44.dev20260713+nightly
codegen_flags: <defaults>
</compile_context>

<pallas_src>
import numpy as np

import jax
import jax.numpy as jnp
from jax import lax
from jax.experimental import pallas as pl
from jax.experimental.pallas import tpu as pltpu
from jax.experimental.pallas import tpu_sc as plsc

_NC = 2
_NS = 16
_L = 16
_NW = _NC * _NS

_B = 8
_N = 4096
_D = 64
_K = 1024
_NB = 32
_R2 = np.float32(0.04)
_CHUNKS = _N // _L

_PPB = _NW // _B
_QPP = _K // _PPB
_GW = 128


def _fps_body(xyzt_hbm, aux_hbm, samp_hbm,
              xs_v, ys_v, zs_v, dists_v, sx_v, sy_v, sz_v, aux_v):
    c = lax.axis_index("c")
    s = lax.axis_index("s")
    w = s * _NC + c

    @pl.when(w < _B)
    def _():
        b = w
        pltpu.sync_copy(xyzt_hbm.at[b, 0], xs_v)
        pltpu.sync_copy(xyzt_hbm.at[b, 1], ys_v)
        pltpu.sync_copy(xyzt_hbm.at[b, 2], zs_v)
        pltpu.sync_copy(aux_hbm.at[b], aux_v)

        lane = jnp.arange(_L, dtype=jnp.int32)
        lane0 = lane == 0
        zeros = jnp.zeros((_L,), jnp.int32)

        inf_v = jnp.full((_L,), jnp.inf, jnp.float32)

        def init_chunk(ci, _):
            dists_v[pl.ds(ci * _L, _L)] = inf_v
            return 0

        lax.fori_loop(0, _CHUNKS, init_chunk, 0)

        qx0 = aux_v[pl.ds(0, _L)]
        qy0 = aux_v[pl.ds(_L, _L)]
        qz0 = aux_v[pl.ds(2 * _L, _L)]
        plsc.store_scatter(sx_v, [zeros], qx0, mask=lane0)
        plsc.store_scatter(sy_v, [zeros], qy0, mask=lane0)
        plsc.store_scatter(sz_v, [zeros], qz0, mask=lane0)

        def iter_body(i, carry):
            qx, qy, qz = carry

            def chunk4(cg, st):
                bv, bi = st
                for u in range(4):
                    sl = pl.ds(cg * (4 * _L) + u * _L, _L)
                    x = xs_v[sl]
                    y = ys_v[sl]
                    z = zs_v[sl]
                    dx = x - qx
                    dy = y - qy
                    dz = z - qz
                    d = (dx * dx + dz * dz) + dy * dy
                    nd = jnp.minimum(dists_v[sl], d)
                    dists_v[sl] = nd
                    iv = cg * (4 * _L) + u * _L + lane
                    m = nd > bv
                    bv = jnp.where(m, nd, bv)
                    bi = jnp.where(m, iv, bi)
                return bv, bi

            bv, bi = lax.fori_loop(
                0, _CHUNKS // 4, chunk4,
                (jnp.full((_L,), -jnp.inf, jnp.float32),
                 jnp.zeros((_L,), jnp.int32)))
            gmax = jnp.max(bv)
            cand = jnp.where(bv == gmax, bi, jnp.int32(_N))
            widx = jnp.min(cand)
            ws = jnp.full((_L,), widx, jnp.int32)
            nqx = plsc.load_gather(xs_v, [ws])
            nqy = plsc.load_gather(ys_v, [ws])
            nqz = plsc.load_gather(zs_v, [ws])
            iw = jnp.full((_L,), i, jnp.int32)
            plsc.store_scatter(sx_v, [iw], nqx, mask=lane0)
            plsc.store_scatter(sy_v, [iw], nqy, mask=lane0)
            plsc.store_scatter(sz_v, [iw], nqz, mask=lane0)
            return nqx, nqy, nqz

        lax.fori_loop(1, _K, iter_body, (qx0, qy0, qz0))

        pltpu.sync_copy(sx_v, samp_hbm.at[b, 0])
        pltpu.sync_copy(sy_v, samp_hbm.at[b, 1])
        pltpu.sync_copy(sz_v, samp_hbm.at[b, 2])


def _bg_body(xyzt_hbm, samp_hbm, featf_hbm, out_hbm,
             xs_v, ys_v, zs_v, qx_v, qy_v, qz_v, rows_v, gbuf_v, gsem):
    c = lax.axis_index("c")
    s = lax.axis_index("s")
    w = s * _NC + c
    b = w // _PPB
    part = w % _PPB

    pltpu.sync_copy(xyzt_hbm.at[b, 0], xs_v)
    pltpu.sync_copy(xyzt_hbm.at[b, 1], ys_v)
    pltpu.sync_copy(xyzt_hbm.at[b, 2], zs_v)
    qoff = part * _QPP
    pltpu.sync_copy(samp_hbm.at[b, 0, pl.ds(qoff, _QPP)], qx_v)
    pltpu.sync_copy(samp_hbm.at[b, 1, pl.ds(qoff, _QPP)], qy_v)
    pltpu.sync_copy(samp_hbm.at[b, 2, pl.ds(qoff, _QPP)], qz_v)

    lane = jnp.arange(_L, dtype=jnp.int32)
    bbase = b * _N
    padv = jnp.full((_L,), bbase + _K, jnp.int32)

    def per_query(q, _):
        qsp = jnp.full((_L,), q, jnp.int32)
        qx = plsc.load_gather(qx_v, [qsp])
        qy = plsc.load_gather(qy_v, [qsp])
        qz = plsc.load_gather(qz_v, [qsp])
        base = q * _NB
        rows_v[pl.ds(base, _L)] = padv
        rows_v[pl.ds(base + _L, _L)] = padv

        def cond(st):
            return (st[0] < _CHUNKS) & (st[1] < _NB)

        def wbody(st):
            ci, cnt = st
            sl = pl.ds(ci * _L, _L)
            x = xs_v[sl]
            y = ys_v[sl]
            z = zs_v[sl]
            dx = x - qx
            dy = y - qy
            dz = z - qz
            d2 = (dx * dx + dz * dz) + dy * dy
            within = d2 < _R2
            hits = jnp.where(within, jnp.int32(1), jnp.int32(0))
            ranks = plsc.cumsum(hits) + (cnt - 1)
            valid = within & (ranks < _NB)
            gi = bbase + ci * _L + lane
            pos = jnp.where(valid, base + ranks, base + _NB - 1)
            plsc.store_scatter(rows_v, [pos], gi, mask=valid)
            return ci + 1, cnt + jnp.sum(hits)

        lax.while_loop(cond, wbody, (jnp.int32(0), jnp.int32(0)))
        return 0

    lax.fori_loop(0, _QPP, per_query, 0)

    obase = w * (_QPP * _NB)

    def gchunk(j, _):
        isl = rows_v.at[pl.ds(j * _GW, _GW)]
        pltpu.async_copy(featf_hbm.at[isl], gbuf_v, gsem).wait()
        pltpu.sync_copy(gbuf_v, out_hbm.at[pl.ds(obase + j * _GW, _GW)])
        return 0

    lax.fori_loop(0, (_QPP * _NB) // _GW, gchunk, 0)


@jax.jit
def kernel(xyz, feat):
    mesh = plsc.VectorSubcoreMesh(
        core_axis_name="c", subcore_axis_name="s",
        num_cores=_NC, num_subcores=_NS)

    xyz_t = jnp.transpose(xyz, (0, 2, 1))
    start = jax.random.randint(
        jax.random.key(42), (_B,), 0, _N).astype(jnp.int32)
    q0 = jnp.take_along_axis(xyz, start[:, None, None], axis=1)[:, 0, :]
    aux = jnp.repeat(q0, _L, axis=1)

    cparams = pltpu.CompilerParams(
        use_tc_tiling_on_sc=False, needs_layout_passes=False)
    fps_call = pl.kernel(
        _fps_body,
        out_type=jax.ShapeDtypeStruct((_B, 3, _K), jnp.float32),
        mesh=mesh,
        compiler_params=cparams,
        scratch_types=[
            pltpu.VMEM((_N,), jnp.float32),
            pltpu.VMEM((_N,), jnp.float32),
            pltpu.VMEM((_N,), jnp.float32),
            pltpu.VMEM((_N,), jnp.float32),
            pltpu.VMEM((_K,), jnp.float32),
            pltpu.VMEM((_K,), jnp.float32),
            pltpu.VMEM((_K,), jnp.float32),
            pltpu.VMEM((3 * _L,), jnp.float32),
        ],
    )
    samp = fps_call(xyz_t, aux)

    featf = feat.reshape(_B * _N, _D)
    bg_call = pl.kernel(
        _bg_body,
        out_type=jax.ShapeDtypeStruct((_B * _K * _NB, _D), jnp.float32),
        mesh=mesh,
        compiler_params=cparams,
        scratch_types=[
            pltpu.VMEM((_N,), jnp.float32),
            pltpu.VMEM((_N,), jnp.float32),
            pltpu.VMEM((_N,), jnp.float32),
            pltpu.VMEM((_QPP,), jnp.float32),
            pltpu.VMEM((_QPP,), jnp.float32),
            pltpu.VMEM((_QPP,), jnp.float32),
            pltpu.VMEM((_QPP * _NB,), jnp.int32),
            pltpu.VMEM((_GW, _D), jnp.float32),
            pltpu.SemaphoreType.DMA,
        ],
    )
    outf = bg_call(xyz_t, samp, featf)

    sample_xyz = jnp.transpose(samp, (0, 2, 1))
    neighbor_feat = outf.reshape(_B, _K, _NB, _D)
    return sample_xyz, neighbor_feat

# --- scband reference (transcript-rebuilt; emitter-appended) ---
"""Pipeline reference for scband-sample-and-group-28475633173176 (READ-ONLY COPY).

The authoritative reference and input builder live on the scoring server;
editing this copy changes nothing except your own understanding.
"""

import jax, jax.numpy as jnp
import numpy as np

SAMPLE_NUM = 1024
RADIUS = 0.2
NEIGHBOR_NUM = 32


def setup_inputs(seed: int = 0) -> dict:
    key = jax.random.key(seed)
    k1, k2 = jax.random.split(key)
    xyz = jax.random.uniform(k1, (8, 4096, 3), dtype=jnp.float32)
    feat = jax.random.normal(k2, (8, 4096, 64), dtype=jnp.float32)
    return {"xyz": xyz, "feat": feat}


def _fps_single(pts, start_idx, K):
    # iterative farthest point sampling (random start point)
    N = pts.shape[0]

    def body(i, carry):
        dists, idxs, last = carry
        d = jnp.sum((pts - pts[last]) ** 2, axis=-1)
        dists = jnp.minimum(dists, d)
        nxt = jnp.argmax(dists).astype(jnp.int32)
        idxs = idxs.at[i].set(nxt)
        return dists, idxs, nxt

    dists0 = jnp.full((N,), jnp.inf, dtype=jnp.float32)
    idxs0 = jnp.zeros((K,), dtype=jnp.int32).at[0].set(start_idx)
    _, idxs, _ = jax.lax.fori_loop(1, K, body, (dists0, idxs0, start_idx))
    return idxs


def _ball_query_single(q, pts, K, radius):
    # pytorch3d-style ball_query: first K points (in index order) with
    # squared distance < radius^2; pad with -1
    P1 = q.shape[0]
    N = pts.shape[0]
    d2 = jnp.sum((q[:, None, :] - pts[None, :, :]) ** 2, axis=-1)
    within = d2 < radius * radius
    rank = jnp.cumsum(within.astype(jnp.int32), axis=-1) - 1
    valid = within & (rank < K)
    r = jnp.where(valid, rank, K)  # route overflow / non-hits to dummy col K
    cols = jnp.broadcast_to(jnp.arange(N, dtype=jnp.int32)[None, :], (P1, N))
    rows = jnp.broadcast_to(jnp.arange(P1, dtype=jnp.int32)[:, None], (P1, N))
    idx = jnp.full((P1, K + 1), -1, dtype=jnp.int32)
    idx = idx.at[rows, r].set(jnp.where(valid, cols, -1))
    return idx[:, :K]


def reference(xyz, feat):
    B, N, _ = xyz.shape
    K = SAMPLE_NUM
    start = jax.random.randint(jax.random.key(42), (B,), 0, N).astype(jnp.int32)
    fps_idx = jax.vmap(lambda p, s: _fps_single(p, s, K))(xyz, start)
    sample_xyz = jnp.take_along_axis(xyz, fps_idx[:, :, None], axis=1)
    neighbor_idx = jax.vmap(
        lambda q, p: _ball_query_single(q, p, NEIGHBOR_NUM, RADIUS)
    )(sample_xyz, xyz)
    # gather(): torch code replaces -1 with idx.shape[1] (== sample_num)
    idx2 = jnp.where(neighbor_idx == -1, SAMPLE_NUM, neighbor_idx)
    neighbor_feat = jax.vmap(lambda f, i: jnp.take(f, i, axis=0))(feat, idx2)
    return sample_xyz, neighbor_feat

if __name__ == "__main__":
    import jax
    _d = setup_inputs()
    print(jax.jit(kernel)(*tuple(_d.values())))

</pallas_src>

<mosaic_0001>
#map = affine_map<(d0, d1) -> (0, 0, 0)>
#map1 = affine_map<(d0, d1) -> (0, 0)>
module attributes {stable_mosaic.version = 14 : i64} {
  func.func @_bg_body(%arg0: i32, %arg1: i32, %arg2: memref<8x3x4096xf32, #tpu.memory_space<hbm>>, %arg3: memref<8x3x1024xf32, #tpu.memory_space<hbm>>, %arg4: memref<32768x64xf32, #tpu.memory_space<hbm>>, %arg5: memref<262144x64xf32, #tpu.memory_space<hbm>>, %arg6: memref<4096xf32, #tpu.memory_space<vmem>>, %arg7: memref<4096xf32, #tpu.memory_space<vmem>>, %arg8: memref<4096xf32, #tpu.memory_space<vmem>>, %arg9: memref<256xf32, #tpu.memory_space<vmem>>, %arg10: memref<256xf32, #tpu.memory_space<vmem>>, %arg11: memref<256xf32, #tpu.memory_space<vmem>>, %arg12: memref<8192xi32, #tpu.memory_space<vmem>>, %arg13: memref<128x64xf32, #tpu.memory_space<vmem>>, %arg14: memref<!tpu.dma_semaphore, #tpu.memory_space<semaphore_mem>>) attributes {dimension_semantics = [#tpu.dimension_semantics<core_parallel>, #tpu.dimension_semantics<subcore_parallel>], iteration_bounds = array<i64: 2, 16>, scalar_prefetch = 0 : i64, scratch_operands = 9 : i64, tpu.core_type = #tpu.core_type<sc_vector_subcore>, window_params = [{transform_indices = #map}, {transform_indices = #map}, {transform_indices = #map1}, {transform_indices = #map1}]} {
    %mul3A = arith.constant 2 : i32
    %mul3A_0 = arith.muli %arg1, %mul3A : i32
    %add3A = arith.addi %mul3A_0, %arg0 : i32
    %jit3A = arith.constant 4 : i32
    %div3A = arith.divsi %add3A, %jit3A : i32
    %sign3A = arith.constant 0 : i32
    %sign3A_1 = arith.cmpi sgt, %add3A, %sign3A : i32
    %sign3A_2 = arith.extui %sign3A_1 : i1 to i32
    %sign3A_3 = arith.constant 0 : i32
    %sign3A_4 = arith.cmpi slt, %add3A, %sign3A_3 : i32
    %sign3A_5 = arith.extui %sign3A_4 : i1 to i32
    %sign3A_6 = arith.subi %sign3A_2, %sign3A_5 : i32
    %sign3A_7 = arith.constant 0 : i32
    %sign3A_8 = arith.cmpi sgt, %jit3A, %sign3A_7 : i32
    %sign3A_9 = arith.extui %sign3A_8 : i1 to i32
    %sign3A_10 = arith.constant 0 : i32
    %sign3A_11 = arith.cmpi slt, %jit3A, %sign3A_10 : i32
    %sign3A_12 = arith.extui %sign3A_11 : i1 to i32
    %sign3A_13 = arith.subi %sign3A_9, %sign3A_12 : i32
    %ne3A = arith.cmpi ne, %sign3A_6, %sign3A_13 : i32
    %rem3A = arith.remsi %add3A, %jit3A : i32
    %ne3A_14 = arith.constant 0 : i32
    %ne3A_15 = arith.cmpi ne, %rem3A, %ne3A_14 : i32
    %and3A = arith.andi %ne3A, %ne3A_15 : i1
    %sub3A = arith.constant 1 : i32
    %sub3A_16 = arith.subi %div3A, %sub3A : i32
    %select_n3A = arith.select %and3A, %sub3A_16, %div3A : i32
    %jit3A_17 = arith.constant 4 : i32
    %eq3A = arith.constant 0 : i32
    %eq3A_18 = arith.cmpi eq, %jit3A_17, %eq3A : i32
    %jit3A_19 = arith.constant 1 : i32
    %select_n3A_20 = arith.select %eq3A_18, %jit3A_19, %jit3A_17 : i32
    %rem3A_21 = arith.remsi %add3A, %select_n3A_20 : i32
    %ne3A_22 = arith.constant 0 : i32
    %ne3A_23 = arith.cmpi ne, %rem3A_21, %ne3A_22 : i32
    %lt3A = arith.constant 0 : i32
    %lt3A_24 = arith.cmpi slt, %rem3A_21, %lt3A : i32
    %lt3A_25 = arith.constant 0 : i32
    %lt3A_26 = arith.cmpi slt, %select_n3A_20, %lt3A_25 : i32
    %ne3A_27 = arith.xori %lt3A_24, %lt3A_26 : i1
    %and3A_28 = arith.andi %ne3A_27, %ne3A_23 : i1
    %add3A_29 = arith.addi %rem3A_21, %select_n3A_20 : i32
    %select_n3A_30 = arith.select %and3A_28, %add3A_29, %rem3A_21 : i32
    %run_scoped3A = arith.constant 0 : i32
    "tpu.region"() ({
      %run_scoped3A_57 = tpu.sem_alloc : memref<!tpu.dma_semaphore, #tpu.memory_space<semaphore_mem>>
      %dma_start3A = arith.constant 0 : i32
      %dma_start3A_58 = tpu.memref_slice %arg2[%select_n3A, %run_scoped3A, %dma_start3A] : memref<8x3x4096xf32, #tpu.memory_space<hbm>> -> memref<1x1x4096xf32, #tpu.memory_space<hbm>>
      %dma_start3A_59 = tpu.memref_squeeze %dma_start3A_58 : memref<1x1x4096xf32, #tpu.memory_space<hbm>> -> memref<4096xf32, #tpu.memory_space<hbm>>
      %dma_start3A_60 = arith.constant 0 : i32
      %dma_start3A_61 = tpu.memref_slice %arg2[%select_n3A, %run_scoped3A, %dma_start3A_60] : memref<8x3x4096xf32, #tpu.memory_space<hbm>> -> memref<1x1x4096xf32, #tpu.memory_space<hbm>>
      %dma_start3A_62 = tpu.memref_squeeze %dma_start3A_61 : memref<1x1x4096xf32, #tpu.memory_space<hbm>> -> memref<4096xf32, #tpu.memory_space<hbm>>
      tpu.enqueue_dma source(%dma_start3A_62 : memref<4096xf32, #tpu.memory_space<hbm>>) target(%arg6 : memref<4096xf32, #tpu.memory_space<vmem>>) target_semaphore(%run_scoped3A_57 : memref<!tpu.dma_semaphore, #tpu.memory_space<semaphore_mem>>)
      %dma_wait3A = arith.constant 0 : i32
      %dma_wait3A_63 = tpu.memref_slice %arg2[%select_n3A, %run_scoped3A, %dma_wait3A] : memref<8x3x4096xf32, #tpu.memory_space<hbm>> -> memref<1x1x4096xf32, #tpu.memory_space<hbm>>
      %dma_wait3A_64 = tpu.memref_squeeze %dma_wait3A_63 : memref<1x1x4096xf32, #tpu.memory_space<hbm>> -> memref<4096xf32, #tpu.memory_space<hbm>>
      %dma_wait3A_65 = arith.constant 0 : i32
      %dma_wait3A_66 = tpu.memref_slice %arg2[%select_n3A, %run_scoped3A, %dma_wait3A_65] : memref<8x3x4096xf32, #tpu.memory_space<hbm>> -> memref<1x1x4096xf32, #tpu.memory_space<hbm>>
      %dma_wait3A_67 = tpu.memref_squeeze %dma_wait3A_66 : memref<1x1x4096xf32, #tpu.memory_space<hbm>> -> memref<4096xf32, #tpu.memory_space<hbm>>
      tpu.wait_dma2 semaphore(%run_scoped3A_57 : memref<!tpu.dma_semaphore, #tpu.memory_space<semaphore_mem>>) src(%dma_wait3A_67 : memref<4096xf32, #tpu.memory_space<hbm>>) dst(%arg6 : memref<4096xf32, #tpu.memory_space<vmem>>)
      tpu.yield
    }) : () -> ()
    %run_scoped3A_31 = arith.constant 1 : i32
    "tpu.region"() ({
      %run_scoped3A_57 = tpu.sem_alloc : memref<!tpu.dma_semaphore, #tpu.memory_space<semaphore_mem>>
      %dma_start3A = arith.constant 0 : i32
      %dma_start3A_58 = tpu.memref_slice %arg2[%select_n3A, %run_scoped3A_31, %dma_start3A] : memref<8x3x4096xf32, #tpu.memory_space<hbm>> -> memref<1x1x4096xf32, #tpu.memory_space<hbm>>
      %dma_start3A_59 = tpu.memref_squeeze %dma_start3A_58 : memref<1x1x4096xf32, #tpu.memory_space<hbm>> -> memref<4096xf32, #tpu.memory_space<hbm>>
      %dma_start3A_60 = arith.constant 0 : i32
      %dma_start3A_61 = tpu.memref_slice %arg2[%select_n3A, %run_scoped3A_31, %dma_start3A_60] : memref<8x3x4096xf32, #tpu.memory_space<hbm>> -> memref<1x1x4096xf32, #tpu.memory_space<hbm>>
      %dma_start3A_62 = tpu.memref_squeeze %dma_start3A_61 : memref<1x1x4096xf32, #tpu.memory_space<hbm>> -> memref<4096xf32, #tpu.memory_space<hbm>>
      tpu.enqueue_dma source(%dma_start3A_62 : memref<4096xf32, #tpu.memory_space<hbm>>) target(%arg7 : memref<4096xf32, #tpu.memory_space<vmem>>) target_semaphore(%run_scoped3A_57 : memref<!tpu.dma_semaphore, #tpu.memory_space<semaphore_mem>>)
      %dma_wait3A = arith.constant 0 : i32
      %dma_wait3A_63 = tpu.memref_slice %arg2[%select_n3A, %run_scoped3A_31, %dma_wait3A] : memref<8x3x4096xf32, #tpu.memory_space<hbm>> -> memref<1x1x4096xf32, #tpu.memory_space<hbm>>
      %dma_wait3A_64 = tpu.memref_squeeze %dma_wait3A_63 : memref<1x1x4096xf32, #tpu.memory_space<hbm>> -> memref<4096xf32, #tpu.memory_space<hbm>>
      %dma_wait3A_65 = arith.constant 0 : i32
      %dma_wait3A_66 = tpu.memref_slice %arg2[%select_n3A, %run_scoped3A_31, %dma_wait3A_65] : memref<8x3x4096xf32, #tpu.memory_space<hbm>> -> memref<1x1x4096xf32, #tpu.memory_space<hbm>>
      %dma_wait3A_67 = tpu.memref_squeeze %dma_wait3A_66 : memref<1x1x4096xf32, #tpu.memory_space<hbm>> -> memref<4096xf32, #tpu.memory_space<hbm>>
      tpu.wait_dma2 semaphore(%run_scoped3A_57 : memref<!tpu.dma_semaphore, #tpu.memory_space<semaphore_mem>>) src(%dma_wait3A_67 : memref<4096xf32, #tpu.memory_space<hbm>>) dst(%arg7 : memref<4096xf32, #tpu.memory_space<vmem>>)
      tpu.yield
    }) : () -> ()
    %run_scoped3A_32 = arith.constant 2 : i32
    "tpu.region"() ({
      %run_scoped3A_57 = tpu.sem_alloc : memref<!tpu.dma_semaphore, #tpu.memory_space<semaphore_mem>>
      %dma_start3A = arith.constant 0 : i32
      %dma_start3A_58 = tpu.memref_slice %arg2[%select_n3A, %run_scoped3A_32, %dma_start3A] : memref<8x3x4096xf32, #tpu.memory_space<hbm>> -> memref<1x1x4096xf32, #tpu.memory_space<hbm>>
      %dma_start3A_59 = tpu.memref_squeeze %dma_start3A_58 : memref<1x1x4096xf32, #tpu.memory_space<hbm>> -> memref<4096xf32, #tpu.memory_space<hbm>>
      %dma_start3A_60 = arith.constant 0 : i32
      %dma_start3A_61 = tpu.memref_slice %arg2[%select_n3A, %run_scoped3A_32, %dma_start3A_60] : memref<8x3x4096xf32, #tpu.memory_space<hbm>> -> memref<1x1x4096xf32, #tpu.memory_space<hbm>>
      %dma_start3A_62 = tpu.memref_squeeze %dma_start3A_61 : memref<1x1x4096xf32, #tpu.memory_space<hbm>> -> memref<4096xf32, #tpu.memory_space<hbm>>
      tpu.enqueue_dma source(%dma_start3A_62 : memref<4096xf32, #tpu.memory_space<hbm>>) target(%arg8 : memref<4096xf32, #tpu.memory_space<vmem>>) target_semaphore(%run_scoped3A_57 : memref<!tpu.dma_semaphore, #tpu.memory_space<semaphore_mem>>)
      %dma_wait3A = arith.constant 0 : i32
      %dma_wait3A_63 = tpu.memref_slice %arg2[%select_n3A, %run_scoped3A_32, %dma_wait3A] : memref<8x3x4096xf32, #tpu.memory_space<hbm>> -> memref<1x1x4096xf32, #tpu.memory_space<hbm>>
      %dma_wait3A_64 = tpu.memref_squeeze %dma_wait3A_63 : memref<1x1x4096xf32, #tpu.memory_space<hbm>> -> memref<4096xf32, #tpu.memory_space<hbm>>
      %dma_wait3A_65 = arith.constant 0 : i32
      %dma_wait3A_66 = tpu.memref_slice %arg2[%select_n3A, %run_scoped3A_32, %dma_wait3A_65] : memref<8x3x4096xf32, #tpu.memory_space<hbm>> -> memref<1x1x4096xf32, #tpu.memory_space<hbm>>
      %dma_wait3A_67 = tpu.memref_squeeze %dma_wait3A_66 : memref<1x1x4096xf32, #tpu.memory_space<hbm>> -> memref<4096xf32, #tpu.memory_space<hbm>>
      tpu.wait_dma2 semaphore(%run_scoped3A_57 : memref<!tpu.dma_semaphore, #tpu.memory_space<semaphore_mem>>) src(%dma_wait3A_67 : memref<4096xf32, #tpu.memory_space<hbm>>) dst(%arg8 : memref<4096xf32, #tpu.memory_space<vmem>>)
      tpu.yield
    }) : () -> ()
    %mul3A_33 = arith.constant 256 : i32
    %mul3A_34 = arith.muli %select_n3A_30, %mul3A_33 : i32
    %run_scoped3A_35 = arith.constant 0 : i32
    "tpu.region"() ({
      %run_scoped3A_57 = tpu.sem_alloc : memref<!tpu.dma_semaphore, #tpu.memory_space<semaphore_mem>>
      %dma_start3A = tpu.memref_slice %arg3[%select_n3A, %run_scoped3A_35, %mul3A_34] : memref<8x3x1024xf32, #tpu.memory_space<hbm>> -> memref<1x1x256xf32, #tpu.memory_space<hbm>>
      %dma_start3A_58 = tpu.memref_squeeze %dma_start3A : memref<1x1x256xf32, #tpu.memory_space<hbm>> -> memref<256xf32, #tpu.memory_space<hbm>>
      %dma_start3A_59 = tpu.memref_slice %arg3[%select_n3A, %run_scoped3A_35, %mul3A_34] : memref<8x3x1024xf32, #tpu.memory_space<hbm>> -> memref<1x1x256xf32, #tpu.memory_space<hbm>>
      %dma_start3A_60 = tpu.memref_squeeze %dma_start3A_59 : memref<1x1x256xf32, #tpu.memory_space<hbm>> -> memref<256xf32, #tpu.memory_space<hbm>>
      tpu.enqueue_dma source(%dma_start3A_60 : memref<256xf32, #tpu.memory_space<hbm>>) target(%arg9 : memref<256xf32, #tpu.memory_space<vmem>>) target_semaphore(%run_scoped3A_57 : memref<!tpu.dma_semaphore, #tpu.memory_space<semaphore_mem>>)
      %dma_wait3A = tpu.memref_slice %arg3[%select_n3A, %run_scoped3A_35, %mul3A_34] : memref<8x3x1024xf32, #tpu.memory_space<hbm>> -> memref<1x1x256xf32, #tpu.memory_space<hbm>>
      %dma_wait3A_61 = tpu.memref_squeeze %dma_wait3A : memref<1x1x256xf32, #tpu.memory_space<hbm>> -> memref<256xf32, #tpu.memory_space<hbm>>
      %dma_wait3A_62 = tpu.memref_slice %arg3[%select_n3A, %run_scoped3A_35, %mul3A_34] : memref<8x3x1024xf32, #tpu.memory_space<hbm>> -> memref<1x1x256xf32, #tpu.memory_space<hbm>>
      %dma_wait3A_63 = tpu.memref_squeeze %dma_wait3A_62 : memref<1x1x256xf32, #tpu.memory_space<hbm>> -> memref<256xf32, #tpu.memory_space<hbm>>
      tpu.wait_dma2 semaphore(%run_scoped3A_57 : memref<!tpu.dma_semaphore, #tpu.memory_space<semaphore_mem>>) src(%dma_wait3A_63 : memref<256xf32, #tpu.memory_space<hbm>>) dst(%arg9 : memref<256xf32, #tpu.memory_space<vmem>>)
      tpu.yield
    }) : () -> ()
    %run_scoped3A_36 = arith.constant 1 : i32
    "tpu.region"() ({
      %run_scoped3A_57 = tpu.sem_alloc : memref<!tpu.dma_semaphore, #tpu.memory_space<semaphore_mem>>
      %dma_start3A = tpu.memref_slice %arg3[%select_n3A, %run_scoped3A_36, %mul3A_34] : memref<8x3x1024xf32, #tpu.memory_space<hbm>> -> memref<1x1x256xf32, #tpu.memory_space<hbm>>
      %dma_start3A_58 = tpu.memref_squeeze %dma_start3A : memref<1x1x256xf32, #tpu.memory_space<hbm>> -> memref<256xf32, #tpu.memory_space<hbm>>
      %dma_start3A_59 = tpu.memref_slice %arg3[%select_n3A, %run_scoped3A_36, %mul3A_34] : memref<8x3x1024xf32, #tpu.memory_space<hbm>> -> memref<1x1x256xf32, #tpu.memory_space<hbm>>
      %dma_start3A_60 = tpu.memref_squeeze %dma_start3A_59 : memref<1x1x256xf32, #tpu.memory_space<hbm>> -> memref<256xf32, #tpu.memory_space<hbm>>
      tpu.enqueue_dma source(%dma_start3A_60 : memref<256xf32, #tpu.memory_space<hbm>>) target(%arg10 : memref<256xf32, #tpu.memory_space<vmem>>) target_semaphore(%run_scoped3A_57 : memref<!tpu.dma_semaphore, #tpu.memory_space<semaphore_mem>>)
      %dma_wait3A = tpu.memref_slice %arg3[%select_n3A, %run_scoped3A_36, %mul3A_34] : memref<8x3x1024xf32, #tpu.memory_space<hbm>> -> memref<1x1x256xf32, #tpu.memory_space<hbm>>
      %dma_wait3A_61 = tpu.memref_squeeze %dma_wait3A : memref<1x1x256xf32, #tpu.memory_space<hbm>> -> memref<256xf32, #tpu.memory_space<hbm>>
      %dma_wait3A_62 = tpu.memref_slice %arg3[%select_n3A, %run_scoped3A_36, %mul3A_34] : memref<8x3x1024xf32, #tpu.memory_space<hbm>> -> memref<1x1x256xf32, #tpu.memory_space<hbm>>
      %dma_wait3A_63 = tpu.memref_squeeze %dma_wait3A_62 : memref<1x1x256xf32, #tpu.memory_space<hbm>> -> memref<256xf32, #tpu.memory_space<hbm>>
      tpu.wait_dma2 semaphore(%run_scoped3A_57 : memref<!tpu.dma_semaphore, #tpu.memory_space<semaphore_mem>>) src(%dma_wait3A_63 : memref<256xf32, #tpu.memory_space<hbm>>) dst(%arg10 : memref<256xf32, #tpu.memory_space<vmem>>)
      tpu.yield
    }) : () -> ()
    %run_scoped3A_37 = arith.constant 2 : i32
    "tpu.region"() ({
      %run_scoped3A_57 = tpu.sem_alloc : memref<!tpu.dma_semaphore, #tpu.memory_space<semaphore_mem>>
      %dma_start3A = tpu.memref_slice %arg3[%select_n3A, %run_scoped3A_37, %mul3A_34] : memref<8x3x1024xf32, #tpu.memory_space<hbm>> -> memref<1x1x256xf32, #tpu.memory_space<hbm>>
      %dma_start3A_58 = tpu.memref_squeeze %dma_start3A : memref<1x1x256xf32, #tpu.memory_space<hbm>> -> memref<256xf32, #tpu.memory_space<hbm>>
      %dma_start3A_59 = tpu.memref_slice %arg3[%select_n3A, %run_scoped3A_37, %mul3A_34] : memref<8x3x1024xf32, #tpu.memory_space<hbm>> -> memref<1x1x256xf32, #tpu.memory_space<hbm>>
      %dma_start3A_60 = tpu.memref_squeeze %dma_start3A_59 : memref<1x1x256xf32, #tpu.memory_space<hbm>> -> memref<256xf32, #tpu.memory_space<hbm>>
      tpu.enqueue_dma source(%dma_start3A_60 : memref<256xf32, #tpu.memory_space<hbm>>) target(%arg11 : memref<256xf32, #tpu.memory_space<vmem>>) target_semaphore(%run_scoped3A_57 : memref<!tpu.dma_semaphore, #tpu.memory_space<semaphore_mem>>)
      %dma_wait3A = tpu.memref_slice %arg3[%select_n3A, %run_scoped3A_37, %mul3A_34] : memref<8x3x1024xf32, #tpu.memory_space<hbm>> -> memref<1x1x256xf32, #tpu.memory_space<hbm>>
      %dma_wait3A_61 = tpu.memref_squeeze %dma_wait3A : memref<1x1x256xf32, #tpu.memory_space<hbm>> -> memref<256xf32, #tpu.memory_space<hbm>>
      %dma_wait3A_62 = tpu.memref_slice %arg3[%select_n3A, %run_scoped3A_37, %mul3A_34] : memref<8x3x1024xf32, #tpu.memory_space<hbm>> -> memref<1x1x256xf32, #tpu.memory_space<hbm>>
      %dma_wait3A_63 = tpu.memref_squeeze %dma_wait3A_62 : memref<1x1x256xf32, #tpu.memory_space<hbm>> -> memref<256xf32, #tpu.memory_space<hbm>>
      tpu.wait_dma2 semaphore(%run_scoped3A_57 : memref<!tpu.dma_semaphore, #tpu.memory_space<semaphore_mem>>) src(%dma_wait3A_63 : memref<256xf32, #tpu.memory_space<hbm>>) dst(%arg11 : memref<256xf32, #tpu.memory_space<vmem>>)
      tpu.yield
    }) : () -> ()
    %iota3A = tpu.iota {dimensions = array<i32: 0>} : vector<16xi32>
    %mul3A_38 = arith.constant 4096 : i32
    %mul3A_39 = arith.muli %select_n3A, %mul3A_38 : i32
    %add3A_40 = arith.constant 1024 : i32
    %add3A_41 = arith.addi %mul3A_39, %add3A_40 : i32
    %broadcast_in_dim3A = vector.broadcast %add3A_41 : i32 to vector<16xi32>
    %scan3A = arith.constant 0 : i32
    %scan3A_42 = arith.constant 0 : i32
    %scan3A_43 = arith.constant 256 : i32
    %scan3A_44 = arith.addi %scan3A_42, %scan3A_43 : i32
    %scan3A_45 = arith.constant 1 : i32
    %scan3A_46 = scf.for %scan3A_57 = %scan3A_42 to %scan3A_44 step %scan3A_45 iter_args(%scan3A_58 = %scan3A) -> (i32)  : i32 {
      %broadcast_in_dim3A_59 = vector.broadcast %scan3A_57 : i32 to vector<16xi32>
      %gather3A = tpu.vector_load_idx %arg9[%broadcast_in_dim3A_59] : memref<256xf32, #tpu.memory_space<vmem>>[vector<16xi32>], vector<16xf32>,
      %gather3A_60 = tpu.vector_load_idx %arg10[%broadcast_in_dim3A_59] : memref<256xf32, #tpu.memory_space<vmem>>[vector<16xi32>], vector<16xf32>,
      %gather3A_61 = tpu.vector_load_idx %arg11[%broadcast_in_dim3A_59] : memref<256xf32, #tpu.memory_space<vmem>>[vector<16xi32>], vector<16xf32>,
      %mul3A_62 = arith.constant 32 : i32
      %mul3A_63 = arith.muli %scan3A_57, %mul3A_62 : i32
      %swap3A = arith.index_cast %mul3A_63 : i32 to index
      %swap3A_64 = tpu.vector_load %arg12[%swap3A] {strides = array<i32>} : memref<8192xi32, #tpu.memory_space<vmem>>, vector<16xi32>,
      tpu.vector_store %arg12[%swap3A], %broadcast_in_dim3A {strides = array<i32>} : memref<8192xi32, #tpu.memory_space<vmem>>, vector<16xi32>,
      %add3A_65 = arith.constant 16 : i32
      %add3A_66 = arith.addi %mul3A_63, %add3A_65 : i32
      %swap3A_67 = arith.index_cast %add3A_66 : i32 to index
      %swap3A_68 = tpu.vector_load %arg12[%swap3A_67] {strides = array<i32>} : memref<8192xi32, #tpu.memory_space<vmem>>, vector<16xi32>,
      tpu.vector_store %arg12[%swap3A_67], %broadcast_in_dim3A {strides = array<i32>} : memref<8192xi32, #tpu.memory_space<vmem>>, vector<16xi32>,
      %while3A = arith.constant 0 : i32
      %while3A_69 = arith.constant 0 : i32
      %while3A_70:2 = scf.while (%while3A_72 = %while3A, %while3A_73 = %while3A_69) : (i32, i32) -> (i32, i32) {
        %lt3A_74 = arith.constant 256 : i32
        %lt3A_75 = arith.cmpi slt, %while3A_72, %lt3A_74 : i32
        %lt3A_76 = arith.constant 32 : i32
        %lt3A_77 = arith.cmpi slt, %while3A_73, %lt3A_76 : i32
        %and3A_78 = arith.andi %lt3A_75, %lt3A_77 : i1
        scf.condition(%and3A_78) %while3A_72, %while3A_73 : i32, i32
      } do {
      ^bb0(%while3A_72: i32, %while3A_73: i32):
        %mul3A_74 = arith.constant 16 : i32
        %mul3A_75 = arith.muli %while3A_72, %mul3A_74 : i32
        %get3A = arith.index_cast %mul3A_75 : i32 to index
        %get3A_76 = tpu.vector_load %arg6[%get3A] {strides = array<i32>} : memref<4096xf32, #tpu.memory_space<vmem>>, vector<16xf32>,
        %get3A_77 = arith.index_cast %mul3A_75 : i32 to index
        %get3A_78 = tpu.vector_load %arg7[%get3A_77] {strides = array<i32>} : memref<4096xf32, #tpu.memory_space<vmem>>, vector<16xf32>,
        %get3A_79 = arith.index_cast %mul3A_75 : i32 to index
        %get3A_80 = tpu.vector_load %arg8[%get3A_79] {strides = array<i32>} : memref<4096xf32, #tpu.memory_space<vmem>>, vector<16xf32>,
        %sub3A_81 = arith.subf %get3A_76, %gather3A : vector<16xf32>
        %sub3A_82 = arith.subf %get3A_78, %gather3A_60 : vector<16xf32>
        %sub3A_83 = arith.subf %get3A_80, %gather3A_61 : vector<16xf32>
        %mul3A_84 = arith.mulf %sub3A_81, %sub3A_81 : vector<16xf32>
        %mul3A_85 = arith.mulf %sub3A_83, %sub3A_83 : vector<16xf32>
        %add3A_86 = arith.addf %mul3A_84, %mul3A_85 : vector<16xf32>
        %mul3A_87 = arith.mulf %sub3A_82, %sub3A_82 : vector<16xf32>
        %add3A_88 = arith.addf %add3A_86, %mul3A_87 : vector<16xf32>
        %lt3A_89 = arith.constant 4.000000e-02 : f32
        %lt3A_90 = vector.broadcast %lt3A_89 : f32 to vector<16xf32>
        %lt3A_91 = arith.cmpf olt, %add3A_88, %lt3A_90 : vector<16xf32>
        %jit3A_92 = arith.constant 1 : i32
        %jit3A_93 = arith.constant 0 : i32
        %broadcast_in_dim3A_94 = vector.broadcast %jit3A_92 : i32 to vector<16xi32>
        %broadcast_in_dim3A_95 = vector.broadcast %jit3A_93 : i32 to vector<16xi32>
        %select_n3A_96 = arith.select %lt3A_91, %broadcast_in_dim3A_94, %broadcast_in_dim3A_95 : vector<16xi1>, vector<16xi32>
        %broadcast_in_dim3A_97 = arith.constant true
        %broadcast_in_dim3A_98 = vector.broadcast %broadcast_in_dim3A_97 : i1 to vector<16xi1>
        %masked_cumsum3A = tpu.scan <sum>, %select_n3A_96 masked %broadcast_in_dim3A_98 : vector<16xi32>, vector<16xi1> -> vector<16xi32>
        %sub3A_99 = arith.constant 1 : i32
        %sub3A_100 = arith.subi %while3A_73, %sub3A_99 : i32
        %add3A_101 = vector.broadcast %sub3A_100 : i32 to vector<16xi32>
        %add3A_102 = arith.addi %masked_cumsum3A, %add3A_101 : vector<16xi32>
        %lt3A_103 = arith.constant 32 : i32
        %lt3A_104 = vector.broadcast %lt3A_103 : i32 to vector<16xi32>
        %lt3A_105 = arith.cmpi slt, %add3A_102, %lt3A_104 : vector<16xi32>
        %and3A_106 = arith.andi %lt3A_91, %lt3A_105 : vector<16xi1>
        %mul3A_107 = arith.constant 16 : i32
        %mul3A_108 = arith.muli %while3A_72, %mul3A_107 : i32
        %add3A_109 = arith.addi %mul3A_39, %mul3A_108 : i32
        %add3A_110 = vector.broadcast %add3A_109 : i32 to vector<16xi32>
        %add3A_111 = arith.addi %add3A_110, %iota3A : vector<16xi32>
        %add3A_112 = vector.broadcast %mul3A_63 : i32 to vector<16xi32>
        %add3A_113 = arith.addi %add3A_112, %add3A_102 : vector<16xi32>
        %add3A_114 = arith.constant 32 : i32
        %add3A_115 = arith.addi %mul3A_63, %add3A_114 : i32
        %sub3A_116 = arith.constant 1 : i32
        %sub3A_117 = arith.subi %add3A_115, %sub3A_116 : i32
        %broadcast_in_dim3A_118 = vector.broadcast %sub3A_117 : i32 to vector<16xi32>
        %select_n3A_119 = arith.select %and3A_106, %add3A_113, %broadcast_in_dim3A_118 : vector<16xi1>, vector<16xi32>
        tpu.vector_store_idx %arg12[%select_n3A_119], %add3A_111 masked %and3A_106 : memref<8192xi32, #tpu.memory_space<vmem>>[vector<16xi32>], vector<16xi32>, vector<16xi1>
        %add3A_120 = arith.constant 1 : i32
        %add3A_121 = arith.addi %while3A_72, %add3A_120 : i32
        %reduce_sum3A = arith.constant true
        %reduce_sum3A_122 = vector.broadcast %reduce_sum3A : i1 to vector<16xi1>
        %reduce_sum3A_123 = tpu.scan <sum>, %select_n3A_96 masked %reduce_sum3A_122 : vector<16xi32>, vector<16xi1> -> vector<16xi32>
        %reduce_sum3A_124 = vector.extract %reduce_sum3A_123[15] : i32 from vector<16xi32>
        %add3A_125 = arith.addi %while3A_73, %reduce_sum3A_124 : i32
        scf.yield %add3A_121, %add3A_125 : i32, i32
      }
      %scan3A_71 = arith.constant 0 : i32
      scf.yield %scan3A_71 : i32
    }
    %scan3A_47 = arith.constant 256 : i32
    %mul3A_48 = arith.constant 8192 : i32
    %mul3A_49 = arith.muli %add3A, %mul3A_48 : i32
    %scan3A_50 = arith.constant 0 : i32
    %scan3A_51 = arith.constant 0 : i32
    %scan3A_52 = arith.constant 64 : i32
    %scan3A_53 = arith.addi %scan3A_51, %scan3A_52 : i32
    %scan3A_54 = arith.constant 1 : i32
    %scan3A_55 = scf.for %scan3A_57 = %scan3A_51 to %scan3A_53 step %scan3A_54 iter_args(%scan3A_58 = %scan3A_50) -> (i32)  : i32 {
      %mul3A_59 = arith.constant 128 : i32
      %mul3A_60 = arith.muli %scan3A_57, %mul3A_59 : i32
      %dma_start3A = tpu.memref_slice %arg12[%mul3A_60] : memref<8192xi32, #tpu.memory_space<vmem>> -> memref<128xi32, #tpu.memory_space<vmem>>
      %dma_start3A_61 = arith.constant 0 : i32
      %dma_start3A_62 = arith.constant 0 : i32
      %dma_start3A_63 = tpu.memref_slice %arg4[%dma_start3A_61, %dma_start3A_62] : memref<32768x64xf32, #tpu.memory_space<hbm>> -> memref<32768x64xf32, #tpu.memory_space<hbm>>
      tpu.enqueue_indirect_dma source(%dma_start3A_63 : memref<32768x64xf32, #tpu.memory_space<hbm>>) target(%arg13 : memref<128x64xf32, #tpu.memory_space<vmem>>) offsets(%dma_start3A : memref<128xi32, #tpu.memory_space<vmem>>) semaphore(%arg14 : memref<!tpu.dma_semaphore, #tpu.memory_space<semaphore_mem>>)
      %dma_wait3A = tpu.memref_slice %arg12[%mul3A_60] : memref<8192xi32, #tpu.memory_space<vmem>> -> memref<128xi32, #tpu.memory_space<vmem>>
      %dma_wait3A_64 = arith.constant 0 : i32
      %dma_wait3A_65 = arith.constant 0 : i32
      %dma_wait3A_66 = tpu.memref_slice %arg4[%dma_wait3A_64, %dma_wait3A_65] : memref<32768x64xf32, #tpu.memory_space<hbm>> -> memref<32768x64xf32, #tpu.memory_space<hbm>>
      tpu.wait_indirect_dma semaphore(%arg14 : memref<!tpu.dma_semaphore, #tpu.memory_space<semaphore_mem>>) src(%dma_wait3A_66 : memref<32768x64xf32, #tpu.memory_space<hbm>>) dst(%arg13 : memref<128x64xf32, #tpu.memory_space<vmem>>)
      %mul3A_67 = arith.constant 128 : i32
      %mul3A_68 = arith.muli %scan3A_57, %mul3A_67 : i32
      %add3A_69 = arith.addi %mul3A_49, %mul3A_68 : i32
      "tpu.region"() ({
        %run_scoped3A_71 = tpu.sem_alloc : memref<!tpu.dma_semaphore, #tpu.memory_space<semaphore_mem>>
        %dma_start3A_72 = arith.constant 0 : i32
        %dma_start3A_73 = tpu.memref_slice %arg5[%add3A_69, %dma_start3A_72] : memref<262144x64xf32, #tpu.memory_space<hbm>> -> memref<128x64xf32, #tpu.memory_space<hbm>>
        %dma_start3A_74 = arith.constant 0 : i32
        %dma_start3A_75 = tpu.memref_slice %arg5[%add3A_69, %dma_start3A_74] : memref<262144x64xf32, #tpu.memory_space<hbm>> -> memref<128x64xf32, #tpu.memory_space<hbm>>
        tpu.enqueue_dma source(%arg13 : memref<128x64xf32, #tpu.memory_space<vmem>>) target(%dma_start3A_75 : memref<128x64xf32, #tpu.memory_space<hbm>>) target_semaphore(%run_scoped3A_71 : memref<!tpu.dma_semaphore, #tpu.memory_space<semaphore_mem>>)
        %dma_wait3A_76 = arith.constant 0 : i32
        %dma_wait3A_77 = tpu.memref_slice %arg5[%add3A_69, %dma_wait3A_76] : memref<262144x64xf32, #tpu.memory_space<hbm>> -> memref<128x64xf32, #tpu.memory_space<hbm>>
        %dma_wait3A_78 = arith.constant 0 : i32
        %dma_wait3A_79 = tpu.memref_slice %arg5[%add3A_69, %dma_wait3A_78] : memref<262144x64xf32, #tpu.memory_space<hbm>> -> memref<128x64xf32, #tpu.memory_space<hbm>>
        tpu.wait_dma2 semaphore(%run_scoped3A_71 : memref<!tpu.dma_semaphore, #tpu.memory_space<semaphore_mem>>) src(%arg13 : memref<128x64xf32, #tpu.memory_space<vmem>>) dst(%dma_wait3A_79 : memref<128x64xf32, #tpu.memory_space<hbm>>)
        tpu.yield
      }) : () -> ()
      %scan3A_70 = arith.constant 0 : i32
      scf.yield %scan3A_70 : i32
    }
    %scan3A_56 = arith.constant 64 : i32
    return
  }
}

#map = affine_map<(d0, d1) -> (0, 0, 0)>
#map1 = affine_map<(d0, d1) -> (0, 0)>
module attributes {stable_mosaic.version = 14 : i64} {
  func.func @_fps_body(%arg0: i32, %arg1: i32, %arg2: memref<8x3x4096xf32, #tpu.memory_space<hbm>>, %arg3: memref<8x48xf32, #tpu.memory_space<hbm>>, %arg4: memref<8x3x1024xf32, #tpu.memory_space<hbm>>, %arg5: memref<4096xf32, #tpu.memory_space<vmem>>, %arg6: memref<4096xf32, #tpu.memory_space<vmem>>, %arg7: memref<4096xf32, #tpu.memory_space<vmem>>, %arg8: memref<4096xf32, #tpu.memory_space<vmem>>, %arg9: memref<1024xf32, #tpu.memory_space<vmem>>, %arg10: memref<1024xf32, #tpu.memory_space<vmem>>, %arg11: memref<1024xf32, #tpu.memory_space<vmem>>, %arg12: memref<48xf32, #tpu.memory_space<vmem>>) attributes {dimension_semantics = [#tpu.dimension_semantics<core_parallel>, #tpu.dimension_semantics<subcore_parallel>], iteration_bounds = array<i64: 2, 16>, scalar_prefetch = 0 : i64, scratch_operands = 8 : i64, tpu.core_type = #tpu.core_type<sc_vector_subcore>, window_params = [{transform_indices = #map}, {transform_indices = #map1}, {transform_indices = #map}]} {
    %mul3A = arith.constant 2 : i32
    %mul3A_0 = arith.muli %arg1, %mul3A : i32
    %add3A = arith.addi %mul3A_0, %arg0 : i32
    %lt3A = arith.constant 8 : i32
    %lt3A_1 = arith.cmpi slt, %add3A, %lt3A : i32
    %convert_element_type3A = arith.extui %lt3A_1 : i1 to i32
    %cond3A = arith.constant 0 : i32
    %cond3A_2 = arith.cmpi ne, %convert_element_type3A, %cond3A : i32
    scf.if %cond3A_2 {
      %run_scoped3A = arith.constant 0 : i32
      "tpu.region"() ({
        %run_scoped3A_30 = tpu.sem_alloc : memref<!tpu.dma_semaphore, #tpu.memory_space<semaphore_mem>>
        %dma_start3A = arith.constant 0 : i32
        %dma_start3A_31 = tpu.memref_slice %arg2[%add3A, %run_scoped3A, %dma_start3A] : memref<8x3x4096xf32, #tpu.memory_space<hbm>> -> memref<1x1x4096xf32, #tpu.memory_space<hbm>>
        %dma_start3A_32 = tpu.memref_squeeze %dma_start3A_31 : memref<1x1x4096xf32, #tpu.memory_space<hbm>> -> memref<4096xf32, #tpu.memory_space<hbm>>
        %dma_start3A_33 = arith.constant 0 : i32
        %dma_start3A_34 = tpu.memref_slice %arg2[%add3A, %run_scoped3A, %dma_start3A_33] : memref<8x3x4096xf32, #tpu.memory_space<hbm>> -> memref<1x1x4096xf32, #tpu.memory_space<hbm>>
        %dma_start3A_35 = tpu.memref_squeeze %dma_start3A_34 : memref<1x1x4096xf32, #tpu.memory_space<hbm>> -> memref<4096xf32, #tpu.memory_space<hbm>>
        tpu.enqueue_dma source(%dma_start3A_35 : memref<4096xf32, #tpu.memory_space<hbm>>) target(%arg5 : memref<4096xf32, #tpu.memory_space<vmem>>) target_semaphore(%run_scoped3A_30 : memref<!tpu.dma_semaphore, #tpu.memory_space<semaphore_mem>>)
        %dma_wait3A = arith.constant 0 : i32
        %dma_wait3A_36 = tpu.memref_slice %arg2[%add3A, %run_scoped3A, %dma_wait3A] : memref<8x3x4096xf32, #tpu.memory_space<hbm>> -> memref<1x1x4096xf32, #tpu.memory_space<hbm>>
        %dma_wait3A_37 = tpu.memref_squeeze %dma_wait3A_36 : memref<1x1x4096xf32, #tpu.memory_space<hbm>> -> memref<4096xf32, #tpu.memory_space<hbm>>
        %dma_wait3A_38 = arith.constant 0 : i32
        %dma_wait3A_39 = tpu.memref_slice %arg2[%add3A, %run_scoped3A, %dma_wait3A_38] : memref<8x3x4096xf32, #tpu.memory_space<hbm>> -> memref<1x1x4096xf32, #tpu.memory_space<hbm>>
        %dma_wait3A_40 = tpu.memref_squeeze %dma_wait3A_39 : memref<1x1x4096xf32, #tpu.memory_space<hbm>> -> memref<4096xf32, #tpu.memory_space<hbm>>
        tpu.wait_dma2 semaphore(%run_scoped3A_30 : memref<!tpu.dma_semaphore, #tpu.memory_space<semaphore_mem>>) src(%dma_wait3A_40 : memref<4096xf32, #tpu.memory_space<hbm>>) dst(%arg5 : memref<4096xf32, #tpu.memory_space<vmem>>)
        tpu.yield
      }) : () -> ()
      %run_scoped3A_3 = arith.constant 1 : i32
      "tpu.region"() ({
        %run_scoped3A_30 = tpu.sem_alloc : memref<!tpu.dma_semaphore, #tpu.memory_space<semaphore_mem>>
        %dma_start3A = arith.constant 0 : i32
        %dma_start3A_31 = tpu.memref_slice %arg2[%add3A, %run_scoped3A_3, %dma_start3A] : memref<8x3x4096xf32, #tpu.memory_space<hbm>> -> memref<1x1x4096xf32, #tpu.memory_space<hbm>>
        %dma_start3A_32 = tpu.memref_squeeze %dma_start3A_31 : memref<1x1x4096xf32, #tpu.memory_space<hbm>> -> memref<4096xf32, #tpu.memory_space<hbm>>
        %dma_start3A_33 = arith.constant 0 : i32
        %dma_start3A_34 = tpu.memref_slice %arg2[%add3A, %run_scoped3A_3, %dma_start3A_33] : memref<8x3x4096xf32, #tpu.memory_space<hbm>> -> memref<1x1x4096xf32, #tpu.memory_space<hbm>>
        %dma_start3A_35 = tpu.memref_squeeze %dma_start3A_34 : memref<1x1x4096xf32, #tpu.memory_space<hbm>> -> memref<4096xf32, #tpu.memory_space<hbm>>
        tpu.enqueue_dma source(%dma_start3A_35 : memref<4096xf32, #tpu.memory_space<hbm>>) target(%arg6 : memref<4096xf32, #tpu.memory_space<vmem>>) target_semaphore(%run_scoped3A_30 : memref<!tpu.dma_semaphore, #tpu.memory_space<semaphore_mem>>)
        %dma_wait3A = arith.constant 0 : i32
        %dma_wait3A_36 = tpu.memref_slice %arg2[%add3A, %run_scoped3A_3, %dma_wait3A] : memref<8x3x4096xf32, #tpu.memory_space<hbm>> -> memref<1x1x4096xf32, #tpu.memory_space<hbm>>
        %dma_wait3A_37 = tpu.memref_squeeze %dma_wait3A_36 : memref<1x1x4096xf32, #tpu.memory_space<hbm>> -> memref<4096xf32, #tpu.memory_space<hbm>>
        %dma_wait3A_38 = arith.constant 0 : i32
        %dma_wait3A_39 = tpu.memref_slice %arg2[%add3A, %run_scoped3A_3, %dma_wait3A_38] : memref<8x3x4096xf32, #tpu.memory_space<hbm>> -> memref<1x1x4096xf32, #tpu.memory_space<hbm>>
        %dma_wait3A_40 = tpu.memref_squeeze %dma_wait3A_39 : memref<1x1x4096xf32, #tpu.memory_space<hbm>> -> memref<4096xf32, #tpu.memory_space<hbm>>
        tpu.wait_dma2 semaphore(%run_scoped3A_30 : memref<!tpu.dma_semaphore, #tpu.memory_space<semaphore_mem>>) src(%dma_wait3A_40 : memref<4096xf32, #tpu.memory_space<hbm>>) dst(%arg6 : memref<4096xf32, #tpu.memory_space<vmem>>)
        tpu.yield
      }) : () -> ()
      %run_scoped3A_4 = arith.constant 2 : i32
      "tpu.region"() ({
        %run_scoped3A_30 = tpu.sem_alloc : memref<!tpu.dma_semaphore, #tpu.memory_space<semaphore_mem>>
        %dma_start3A = arith.constant 0 : i32
        %dma_start3A_31 = tpu.memref_slice %arg2[%add3A, %run_scoped3A_4, %dma_start3A] : memref<8x3x4096xf32, #tpu.memory_space<hbm>> -> memref<1x1x4096xf32, #tpu.memory_space<hbm>>
        %dma_start3A_32 = tpu.memref_squeeze %dma_start3A_31 : memref<1x1x4096xf32, #tpu.memory_space<hbm>> -> memref<4096xf32, #tpu.memory_space<hbm>>
        %dma_start3A_33 = arith.constant 0 : i32
        %dma_start3A_34 = tpu.memref_slice %arg2[%add3A, %run_scoped3A_4, %dma_start3A_33] : memref<8x3x4096xf32, #tpu.memory_space<hbm>> -> memref<1x1x4096xf32, #tpu.memory_space<hbm>>
        %dma_start3A_35 = tpu.memref_squeeze %dma_start3A_34 : memref<1x1x4096xf32, #tpu.memory_space<hbm>> -> memref<4096xf32, #tpu.memory_space<hbm>>
        tpu.enqueue_dma source(%dma_start3A_35 : memref<4096xf32, #tpu.memory_space<hbm>>) target(%arg7 : memref<4096xf32, #tpu.memory_space<vmem>>) target_semaphore(%run_scoped3A_30 : memref<!tpu.dma_semaphore, #tpu.memory_space<semaphore_mem>>)
        %dma_wait3A = arith.constant 0 : i32
        %dma_wait3A_36 = tpu.memref_slice %arg2[%add3A, %run_scoped3A_4, %dma_wait3A] : memref<8x3x4096xf32, #tpu.memory_space<hbm>> -> memref<1x1x4096xf32, #tpu.memory_space<hbm>>
        %dma_wait3A_37 = tpu.memref_squeeze %dma_wait3A_36 : memref<1x1x4096xf32, #tpu.memory_space<hbm>> -> memref<4096xf32, #tpu.memory_space<hbm>>
        %dma_wait3A_38 = arith.constant 0 : i32
        %dma_wait3A_39 = tpu.memref_slice %arg2[%add3A, %run_scoped3A_4, %dma_wait3A_38] : memref<8x3x4096xf32, #tpu.memory_space<hbm>> -> memref<1x1x4096xf32, #tpu.memory_space<hbm>>
        %dma_wait3A_40 = tpu.memref_squeeze %dma_wait3A_39 : memref<1x1x4096xf32, #tpu.memory_space<hbm>> -> memref<4096xf32, #tpu.memory_space<hbm>>
        tpu.wait_dma2 semaphore(%run_scoped3A_30 : memref<!tpu.dma_semaphore, #tpu.memory_space<semaphore_mem>>) src(%dma_wait3A_40 : memref<4096xf32, #tpu.memory_space<hbm>>) dst(%arg7 : memref<4096xf32, #tpu.memory_space<vmem>>)
        tpu.yield
      }) : () -> ()
      "tpu.region"() ({
        %run_scoped3A_30 = tpu.sem_alloc : memref<!tpu.dma_semaphore, #tpu.memory_space<semaphore_mem>>
        %dma_start3A = arith.constant 0 : i32
        %dma_start3A_31 = tpu.memref_slice %arg3[%add3A, %dma_start3A] : memref<8x48xf32, #tpu.memory_space<hbm>> -> memref<1x48xf32, #tpu.memory_space<hbm>>
        %dma_start3A_32 = tpu.memref_squeeze %dma_start3A_31 : memref<1x48xf32, #tpu.memory_space<hbm>> -> memref<48xf32, #tpu.memory_space<hbm>>
        %dma_start3A_33 = arith.constant 0 : i32
        %dma_start3A_34 = tpu.memref_slice %arg3[%add3A, %dma_start3A_33] : memref<8x48xf32, #tpu.memory_space<hbm>> -> memref<1x48xf32, #tpu.memory_space<hbm>>
        %dma_start3A_35 = tpu.memref_squeeze %dma_start3A_34 : memref<1x48xf32, #tpu.memory_space<hbm>> -> memref<48xf32, #tpu.memory_space<hbm>>
        tpu.enqueue_dma source(%dma_start3A_35 : memref<48xf32, #tpu.memory_space<hbm>>) target(%arg12 : memref<48xf32, #tpu.memory_space<vmem>>) target_semaphore(%run_scoped3A_30 : memref<!tpu.dma_semaphore, #tpu.memory_space<semaphore_mem>>)
        %dma_wait3A = arith.constant 0 : i32
        %dma_wait3A_36 = tpu.memref_slice %arg3[%add3A, %dma_wait3A] : memref<8x48xf32, #tpu.memory_space<hbm>> -> memref<1x48xf32, #tpu.memory_space<hbm>>
        %dma_wait3A_37 = tpu.memref_squeeze %dma_wait3A_36 : memref<1x48xf32, #tpu.memory_space<hbm>> -> memref<48xf32, #tpu.memory_space<hbm>>
        %dma_wait3A_38 = arith.constant 0 : i32
        %dma_wait3A_39 = tpu.memref_slice %arg3[%add3A, %dma_wait3A_38] : memref<8x48xf32, #tpu.memory_space<hbm>> -> memref<1x48xf32, #tpu.memory_space<hbm>>
        %dma_wait3A_40 = tpu.memref_squeeze %dma_wait3A_39 : memref<1x48xf32, #tpu.memory_space<hbm>> -> memref<48xf32, #tpu.memory_space<hbm>>
        tpu.wait_dma2 semaphore(%run_scoped3A_30 : memref<!tpu.dma_semaphore, #tpu.memory_space<semaphore_mem>>) src(%dma_wait3A_40 : memref<48xf32, #tpu.memory_space<hbm>>) dst(%arg12 : memref<48xf32, #tpu.memory_space<vmem>>)
        tpu.yield
      }) : () -> ()
      %iota3A = tpu.iota {dimensions = array<i32: 0>} : vector<16xi32>
      %eq3A = arith.constant 0 : i32
      %eq3A_5 = vector.broadcast %eq3A : i32 to vector<16xi32>
      %eq3A_6 = arith.cmpi eq, %iota3A, %eq3A_5 : vector<16xi32>
      %broadcast_in_dim3A = arith.constant 0 : i32
      %broadcast_in_dim3A_7 = vector.broadcast %broadcast_in_dim3A : i32 to vector<16xi32>
      %broadcast_in_dim3A_8 = arith.constant 0x7F800000 : f32
      %broadcast_in_dim3A_9 = vector.broadcast %broadcast_in_dim3A_8 : f32 to vector<16xf32>
      %scan3A = arith.constant 0 : i32
      %scan3A_10 = arith.constant 0 : i32
      %scan3A_11 = arith.constant 256 : i32
      %scan3A_12 = arith.addi %scan3A_10, %scan3A_11 : i32
      %scan3A_13 = arith.constant 1 : i32
      %scan3A_14 = scf.for %scan3A_30 = %scan3A_10 to %scan3A_12 step %scan3A_13 iter_args(%scan3A_31 = %scan3A) -> (i32)  : i32 {
        %mul3A_32 = arith.constant 16 : i32
        %mul3A_33 = arith.muli %scan3A_30, %mul3A_32 : i32
        %swap3A = arith.index_cast %mul3A_33 : i32 to index
        %swap3A_34 = tpu.vector_load %arg8[%swap3A] {strides = array<i32>} : memref<4096xf32, #tpu.memory_space<vmem>>, vector<16xf32>,
        tpu.vector_store %arg8[%swap3A], %broadcast_in_dim3A_9 {strides = array<i32>} : memref<4096xf32, #tpu.memory_space<vmem>>, vector<16xf32>,
        %scan3A_35 = arith.constant 0 : i32
        scf.yield %scan3A_35 : i32
      }
      %scan3A_15 = arith.constant 256 : i32
      %get3A = arith.constant 0 : index
      %get3A_16 = tpu.vector_load %arg12[%get3A] {strides = array<i32>} : memref<48xf32, #tpu.memory_space<vmem>>, vector<16xf32>,
      %get3A_17 = arith.constant 16 : index
      %get3A_18 = tpu.vector_load %arg12[%get3A_17] {strides = array<i32>} : memref<48xf32, #tpu.memory_space<vmem>>, vector<16xf32>,
      %get3A_19 = arith.constant 32 : index
      %get3A_20 = tpu.vector_load %arg12[%get3A_19] {strides = array<i32>} : memref<48xf32, #tpu.memory_space<vmem>>, vector<16xf32>,
      tpu.vector_store_idx %arg9[%broadcast_in_dim3A_7], %get3A_16 masked %eq3A_6 : memref<1024xf32, #tpu.memory_space<vmem>>[vector<16xi32>], vector<16xf32>, vector<16xi1>
      tpu.vector_store_idx %arg10[%broadcast_in_dim3A_7], %get3A_18 masked %eq3A_6 : memref<1024xf32, #tpu.memory_space<vmem>>[vector<16xi32>], vector<16xf32>, vector<16xi1>
      tpu.vector_store_idx %arg11[%broadcast_in_dim3A_7], %get3A_20 masked %eq3A_6 : memref<1024xf32, #tpu.memory_space<vmem>>[vector<16xi32>], vector<16xf32>, vector<16xi1>
      %scan3A_21 = arith.constant 1 : i32
      %scan3A_22 = arith.constant 1023 : i32
      %scan3A_23 = arith.addi %scan3A_21, %scan3A_22 : i32
      %scan3A_24 = arith.constant 1 : i32
      %scan3A_25:3 = scf.for %scan3A_30 = %scan3A_21 to %scan3A_23 step %scan3A_24 iter_args(%scan3A_31 = %get3A_16, %scan3A_32 = %get3A_18, %scan3A_33 = %get3A_20) -> (vector<16xf32>, vector<16xf32>, vector<16xf32>)  : i32 {
        %broadcast_in_dim3A_34 = arith.constant 0xFF800000 : f32
        %broadcast_in_dim3A_35 = vector.broadcast %broadcast_in_dim3A_34 : f32 to vector<16xf32>
        %broadcast_in_dim3A_36 = arith.constant 0 : i32
        %broadcast_in_dim3A_37 = vector.broadcast %broadcast_in_dim3A_36 : i32 to vector<16xi32>
        %scan3A_38 = arith.constant 0 : i32
        %scan3A_39 = arith.constant 64 : i32
        %scan3A_40 = arith.addi %scan3A_38, %scan3A_39 : i32
        %scan3A_41 = arith.constant 1 : i32
        %scan3A_42:2 = scf.for %scan3A_61 = %scan3A_38 to %scan3A_40 step %scan3A_41 iter_args(%scan3A_62 = %broadcast_in_dim3A_35, %scan3A_63 = %broadcast_in_dim3A_37) -> (vector<16xf32>, vector<16xi32>)  : i32 {
          %mul3A_64 = arith.constant 64 : i32
          %mul3A_65 = arith.muli %scan3A_61, %mul3A_64 : i32
          %add3A_66 = arith.constant 0 : i32
          %add3A_67 = arith.addi %mul3A_65, %add3A_66 : i32
          %get3A_68 = arith.index_cast %add3A_67 : i32 to index
          %get3A_69 = tpu.vector_load %arg5[%get3A_68] {strides = array<i32>} : memref<4096xf32, #tpu.memory_space<vmem>>, vector<16xf32>,
          %get3A_70 = arith.index_cast %add3A_67 : i32 to index
          %get3A_71 = tpu.vector_load %arg6[%get3A_70] {strides = array<i32>} : memref<4096xf32, #tpu.memory_space<vmem>>, vector<16xf32>,
          %get3A_72 = arith.index_cast %add3A_67 : i32 to index
          %get3A_73 = tpu.vector_load %arg7[%get3A_72] {strides = array<i32>} : memref<4096xf32, #tpu.memory_space<vmem>>, vector<16xf32>,
          %sub3A = arith.subf %get3A_69, %scan3A_31 : vector<16xf32>
          %sub3A_74 = arith.subf %get3A_71, %scan3A_32 : vector<16xf32>
          %sub3A_75 = arith.subf %get3A_73, %scan3A_33 : vector<16xf32>
          %mul3A_76 = arith.mulf %sub3A, %sub3A : vector<16xf32>
          %mul3A_77 = arith.mulf %sub3A_75, %sub3A_75 : vector<16xf32>
          %add3A_78 = arith.addf %mul3A_76, %mul3A_77 : vector<16xf32>
          %mul3A_79 = arith.mulf %sub3A_74, %sub3A_74 : vector<16xf32>
          %add3A_80 = arith.addf %add3A_78, %mul3A_79 : vector<16xf32>
          %get3A_81 = arith.index_cast %add3A_67 : i32 to index
          %get3A_82 = tpu.vector_load %arg8[%get3A_81] {strides = array<i32>} : memref<4096xf32, #tpu.memory_space<vmem>>, vector<16xf32>,
          %min3A = arith.minimumf %get3A_82, %add3A_80 : vector<16xf32>
          %swap3A = arith.index_cast %add3A_67 : i32 to index
          %swap3A_83 = tpu.vector_load %arg8[%swap3A] {strides = array<i32>} : memref<4096xf32, #tpu.memory_space<vmem>>, vector<16xf32>,
          tpu.vector_store %arg8[%swap3A], %min3A {strides = array<i32>} : memref<4096xf32, #tpu.memory_space<vmem>>, vector<16xf32>,
          %mul3A_84 = arith.constant 64 : i32
          %mul3A_85 = arith.muli %scan3A_61, %mul3A_84 : i32
          %add3A_86 = arith.constant 0 : i32
          %add3A_87 = arith.addi %mul3A_85, %add3A_86 : i32
          %add3A_88 = vector.broadcast %add3A_87 : i32 to vector<16xi32>
          %add3A_89 = arith.addi %add3A_88, %iota3A : vector<16xi32>
          %gt3A = arith.cmpf ogt, %min3A, %scan3A_62 : vector<16xf32>
          %select_n3A_90 = arith.select %gt3A, %min3A, %scan3A_62 : vector<16xi1>, vector<16xf32>
          %select_n3A_91 = arith.select %gt3A, %add3A_89, %scan3A_63 : vector<16xi1>, vector<16xi32>
          %mul3A_92 = arith.constant 64 : i32
          %mul3A_93 = arith.muli %scan3A_61, %mul3A_92 : i32
          %add3A_94 = arith.constant 16 : i32
          %add3A_95 = arith.addi %mul3A_93, %add3A_94 : i32
          %get3A_96 = arith.index_cast %add3A_95 : i32 to index
          %get3A_97 = tpu.vector_load %arg5[%get3A_96] {strides = array<i32>} : memref<4096xf32, #tpu.memory_space<vmem>>, vector<16xf32>,
          %get3A_98 = arith.index_cast %add3A_95 : i32 to index
          %get3A_99 = tpu.vector_load %arg6[%get3A_98] {strides = array<i32>} : memref<4096xf32, #tpu.memory_space<vmem>>, vector<16xf32>,
          %get3A_100 = arith.index_cast %add3A_95 : i32 to index
          %get3A_101 = tpu.vector_load %arg7[%get3A_100] {strides = array<i32>} : memref<4096xf32, #tpu.memory_space<vmem>>, vector<16xf32>,
          %sub3A_102 = arith.subf %get3A_97, %scan3A_31 : vector<16xf32>
          %sub3A_103 = arith.subf %get3A_99, %scan3A_32 : vector<16xf32>
          %sub3A_104 = arith.subf %get3A_101, %scan3A_33 : vector<16xf32>
          %mul3A_105 = arith.mulf %sub3A_102, %sub3A_102 : vector<16xf32>
          %mul3A_106 = arith.mulf %sub3A_104, %sub3A_104 : vector<16xf32>
          %add3A_107 = arith.addf %mul3A_105, %mul3A_106 : vector<16xf32>
          %mul3A_108 = arith.mulf %sub3A_103, %sub3A_103 : vector<16xf32>
          %add3A_109 = arith.addf %add3A_107, %mul3A_108 : vector<16xf32>
          %get3A_110 = arith.index_cast %add3A_95 : i32 to index
          %get3A_111 = tpu.vector_load %arg8[%get3A_110] {strides = array<i32>} : memref<4096xf32, #tpu.memory_space<vmem>>, vector<16xf32>,
          %min3A_112 = arith.minimumf %get3A_111, %add3A_109 : vector<16xf32>
          %swap3A_113 = arith.index_cast %add3A_95 : i32 to index
          %swap3A_114 = tpu.vector_load %arg8[%swap3A_113] {strides = array<i32>} : memref<4096xf32, #tpu.memory_space<vmem>>, vector<16xf32>,
          tpu.vector_store %arg8[%swap3A_113], %min3A_112 {strides = array<i32>} : memref<4096xf32, #tpu.memory_space<vmem>>, vector<16xf32>,
          %mul3A_115 = arith.constant 64 : i32
          %mul3A_116 = arith.muli %scan3A_61, %mul3A_115 : i32
          %add3A_117 = arith.constant 16 : i32
          %add3A_118 = arith.addi %mul3A_116, %add3A_117 : i32
          %add3A_119 = vector.broadcast %add3A_118 : i32 to vector<16xi32>
          %add3A_120 = arith.addi %add3A_119, %iota3A : vector<16xi32>
          %gt3A_121 = arith.cmpf ogt, %min3A_112, %select_n3A_90 : vector<16xf32>
          %select_n3A_122 = arith.select %gt3A_121, %min3A_112, %select_n3A_90 : vector<16xi1>, vector<16xf32>
          %select_n3A_123 = arith.select %gt3A_121, %add3A_120, %select_n3A_91 : vector<16xi1>, vector<16xi32>
          %mul3A_124 = arith.constant 64 : i32
          %mul3A_125 = arith.muli %scan3A_61, %mul3A_124 : i32
          %add3A_126 = arith.constant 32 : i32
          %add3A_127 = arith.addi %mul3A_125, %add3A_126 : i32
          %get3A_128 = arith.index_cast %add3A_127 : i32 to index
          %get3A_129 = tpu.vector_load %arg5[%get3A_128] {strides = array<i32>} : memref<4096xf32, #tpu.memory_space<vmem>>, vector<16xf32>,
          %get3A_130 = arith.index_cast %add3A_127 : i32 to index
          %get3A_131 = tpu.vector_load %arg6[%get3A_130] {strides = array<i32>} : memref<4096xf32, #tpu.memory_space<vmem>>, vector<16xf32>,
          %get3A_132 = arith.index_cast %add3A_127 : i32 to index
          %get3A_133 = tpu.vector_load %arg7[%get3A_132] {strides = array<i32>} : memref<4096xf32, #tpu.memory_space<vmem>>, vector<16xf32>,
          %sub3A_134 = arith.subf %get3A_129, %scan3A_31 : vector<16xf32>
          %sub3A_135 = arith.subf %get3A_131, %scan3A_32 : vector<16xf32>
          %sub3A_136 = arith.subf %get3A_133, %scan3A_33 : vector<16xf32>
          %mul3A_137 = arith.mulf %sub3A_134, %sub3A_134 : vector<16xf32>
          %mul3A_138 = arith.mulf %sub3A_136, %sub3A_136 : vector<16xf32>
          %add3A_139 = arith.addf %mul3A_137, %mul3A_138 : vector<16xf32>
          %mul3A_140 = arith.mulf %sub3A_135, %sub3A_135 : vector<16xf32>
          %add3A_141 = arith.addf %add3A_139, %mul3A_140 : vector<16xf32>
          %get3A_142 = arith.index_cast %add3A_127 : i32 to index
          %get3A_143 = tpu.vector_load %arg8[%get3A_142] {strides = array<i32>} : memref<4096xf32, #tpu.memory_space<vmem>>, vector<16xf32>,
          %min3A_144 = arith.minimumf %get3A_143, %add3A_141 : vector<16xf32>
          %swap3A_145 = arith.index_cast %add3A_127 : i32 to index
          %swap3A_146 = tpu.vector_load %arg8[%swap3A_145] {strides = array<i32>} : memref<4096xf32, #tpu.memory_space<vmem>>, vector<16xf32>,
          tpu.vector_store %arg8[%swap3A_145], %min3A_144 {strides = array<i32>} : memref<4096xf32, #tpu.memory_space<vmem>>, vector<16xf32>,
          %mul3A_147 = arith.constant 64 : i32
          %mul3A_148 = arith.muli %scan3A_61, %mul3A_147 : i32
          %add3A_149 = arith.constant 32 : i32
          %add3A_150 = arith.addi %mul3A_148, %add3A_149 : i32
          %add3A_151 = vector.broadcast %add3A_150 : i32 to vector<16xi32>
          %add3A_152 = arith.addi %add3A_151, %iota3A : vector<16xi32>
          %gt3A_153 = arith.cmpf ogt, %min3A_144, %select_n3A_122 : vector<16xf32>
          %select_n3A_154 = arith.select %gt3A_153, %min3A_144, %select_n3A_122 : vector<16xi1>, vector<16xf32>
          %select_n3A_155 = arith.select %gt3A_153, %add3A_152, %select_n3A_123 : vector<16xi1>, vector<16xi32>
          %mul3A_156 = arith.constant 64 : i32
          %mul3A_157 = arith.muli %scan3A_61, %mul3A_156 : i32
          %add3A_158 = arith.constant 48 : i32
          %add3A_159 = arith.addi %mul3A_157, %add3A_158 : i32
          %get3A_160 = arith.index_cast %add3A_159 : i32 to index
          %get3A_161 = tpu.vector_load %arg5[%get3A_160] {strides = array<i32>} : memref<4096xf32, #tpu.memory_space<vmem>>, vector<16xf32>,
          %get3A_162 = arith.index_cast %add3A_159 : i32 to index
          %get3A_163 = tpu.vector_load %arg6[%get3A_162] {strides = array<i32>} : memref<4096xf32, #tpu.memory_space<vmem>>, vector<16xf32>,
          %get3A_164 = arith.index_cast %add3A_159 : i32 to index
          %get3A_165 = tpu.vector_load %arg7[%get3A_164] {strides = array<i32>} : memref<4096xf32, #tpu.memory_space<vmem>>, vector<16xf32>,
          %sub3A_166 = arith.subf %get3A_161, %scan3A_31 : vector<16xf32>
          %sub3A_167 = arith.subf %get3A_163, %scan3A_32 : vector<16xf32>
          %sub3A_168 = arith.subf %get3A_165, %scan3A_33 : vector<16xf32>
          %mul3A_169 = arith.mulf %sub3A_166, %sub3A_166 : vector<16xf32>
          %mul3A_170 = arith.mulf %sub3A_168, %sub3A_168 : vector<16xf32>
          %add3A_171 = arith.addf %mul3A_169, %mul3A_170 : vector<16xf32>
          %mul3A_172 = arith.mulf %sub3A_167, %sub3A_167 : vector<16xf32>
          %add3A_173 = arith.addf %add3A_171, %mul3A_172 : vector<16xf32>
          %get3A_174 = arith.index_cast %add3A_159 : i32 to index
          %get3A_175 = tpu.vector_load %arg8[%get3A_174] {strides = array<i32>} : memref<4096xf32, #tpu.memory_space<vmem>>, vector<16xf32>,
          %min3A_176 = arith.minimumf %get3A_175, %add3A_173 : vector<16xf32>
          %swap3A_177 = arith.index_cast %add3A_159 : i32 to index
          %swap3A_178 = tpu.vector_load %arg8[%swap3A_177] {strides = array<i32>} : memref<4096xf32, #tpu.memory_space<vmem>>, vector<16xf32>,
          tpu.vector_store %arg8[%swap3A_177], %min3A_176 {strides = array<i32>} : memref<4096xf32, #tpu.memory_space<vmem>>, vector<16xf32>,
          %mul3A_179 = arith.constant 64 : i32
          %mul3A_180 = arith.muli %scan3A_61, %mul3A_179 : i32
          %add3A_181 = arith.constant 48 : i32
          %add3A_182 = arith.addi %mul3A_180, %add3A_181 : i32
          %add3A_183 = vector.broadcast %add3A_182 : i32 to vector<16xi32>
          %add3A_184 = arith.addi %add3A_183, %iota3A : vector<16xi32>
          %gt3A_185 = arith.cmpf ogt, %min3A_176, %select_n3A_154 : vector<16xf32>
          %select_n3A_186 = arith.select %gt3A_185, %min3A_176, %select_n3A_154 : vector<16xi1>, vector<16xf32>
          %select_n3A_187 = arith.select %gt3A_185, %add3A_184, %select_n3A_155 : vector<16xi1>, vector<16xi32>
          scf.yield %select_n3A_186, %select_n3A_187 : vector<16xf32>, vector<16xi32>
        }
        %scan3A_43 = arith.constant 64 : i32
        %reduce_max3A = arith.constant true
        %reduce_max3A_44 = vector.broadcast %reduce_max3A : i1 to vector<16xi1>
        %reduce_max3A_45 = tpu.scan <max>, %scan3A_42#0 masked %reduce_max3A_44 : vector<16xf32>, vector<16xi1> -> vector<16xf32>
        %reduce_max3A_46 = vector.extract %reduce_max3A_45[15] : f32 from vector<16xf32>
        %eq3A_47 = vector.broadcast %reduce_max3A_46 : f32 to vector<16xf32>
        %eq3A_48 = arith.cmpf oeq, %scan3A_42#0, %eq3A_47 : vector<16xf32>
        %jit3A = arith.constant 4096 : i32
        %broadcast_in_dim3A_49 = vector.broadcast %jit3A : i32 to vector<16xi32>
        %select_n3A = arith.select %eq3A_48, %scan3A_42#1, %broadcast_in_dim3A_49 : vector<16xi1>, vector<16xi32>
        %reduce_min3A = arith.constant true
        %reduce_min3A_50 = vector.broadcast %reduce_min3A : i1 to vector<16xi1>
        %reduce_min3A_51 = arith.constant -2147483648 : i32
        %reduce_min3A_52 = vector.broadcast %reduce_min3A_51 : i32 to vector<16xi32>
        %reduce_min3A_53 = arith.xori %select_n3A, %reduce_min3A_52 : vector<16xi32>
        %reduce_min3A_54 = tpu.scan <min>, %reduce_min3A_53 masked %reduce_min3A_50 : vector<16xi32>, vector<16xi1> -> vector<16xi32>
        %reduce_min3A_55 = arith.xori %reduce_min3A_54, %reduce_min3A_52 : vector<16xi32>
        %reduce_min3A_56 = vector.extract %reduce_min3A_55[15] : i32 from vector<16xi32>
        %broadcast_in_dim3A_57 = vector.broadcast %reduce_min3A_56 : i32 to vector<16xi32>
        %gather3A = tpu.vector_load_idx %arg5[%broadcast_in_dim3A_57] : memref<4096xf32, #tpu.memory_space<vmem>>[vector<16xi32>], vector<16xf32>,
        %gather3A_58 = tpu.vector_load_idx %arg6[%broadcast_in_dim3A_57] : memref<4096xf32, #tpu.memory_space<vmem>>[vector<16xi32>], vector<16xf32>,
        %gather3A_59 = tpu.vector_load_idx %arg7[%broadcast_in_dim3A_57] : memref<4096xf32, #tpu.memory_space<vmem>>[vector<16xi32>], vector<16xf32>,
        %broadcast_in_dim3A_60 = vector.broadcast %scan3A_30 : i32 to vector<16xi32>
        tpu.vector_store_idx %arg9[%broadcast_in_dim3A_60], %gather3A masked %eq3A_6 : memref<1024xf32, #tpu.memory_space<vmem>>[vector<16xi32>], vector<16xf32>, vector<16xi1>
        tpu.vector_store_idx %arg10[%broadcast_in_dim3A_60], %gather3A_58 masked %eq3A_6 : memref<1024xf32, #tpu.memory_space<vmem>>[vector<16xi32>], vector<16xf32>, vector<16xi1>
        tpu.vector_store_idx %arg11[%broadcast_in_dim3A_60], %gather3A_59 masked %eq3A_6 : memref<1024xf32, #tpu.memory_space<vmem>>[vector<16xi32>], vector<16xf32>, vector<16xi1>
        scf.yield %gather3A, %gather3A_58, %gather3A_59 : vector<16xf32>, vector<16xf32>, vector<16xf32>
      }
      %scan3A_26 = arith.constant 1023 : i32
      %run_scoped3A_27 = arith.constant 0 : i32
      "tpu.region"() ({
        %run_scoped3A_30 = tpu.sem_alloc : memref<!tpu.dma_semaphore, #tpu.memory_space<semaphore_mem>>
        %dma_start3A = arith.constant 0 : i32
        %dma_start3A_31 = tpu.memref_slice %arg4[%add3A, %run_scoped3A_27, %dma_start3A] : memref<8x3x1024xf32, #tpu.memory_space<hbm>> -> memref<1x1x1024xf32, #tpu.memory_space<hbm>>
        %dma_start3A_32 = tpu.memref_squeeze %dma_start3A_31 : memref<1x1x1024xf32, #tpu.memory_space<hbm>> -> memref<1024xf32, #tpu.memory_space<hbm>>
        %dma_start3A_33 = arith.constant 0 : i32
        %dma_start3A_34 = tpu.memref_slice %arg4[%add3A, %run_scoped3A_27, %dma_start3A_33] : memref<8x3x1024xf32, #tpu.memory_space<hbm>> -> memref<1x1x1024xf32, #tpu.memory_space<hbm>>
        %dma_start3A_35 = tpu.memref_squeeze %dma_start3A_34 : memref<1x1x1024xf32, #tpu.memory_space<hbm>> -> memref<1024xf32, #tpu.memory_space<hbm>>
        tpu.enqueue_dma source(%arg9 : memref<1024xf32, #tpu.memory_space<vmem>>) target(%dma_start3A_35 : memref<1024xf32, #tpu.memory_space<hbm>>) target_semaphore(%run_scoped3A_30 : memref<!tpu.dma_semaphore, #tpu.memory_space<semaphore_mem>>)
        %dma_wait3A = arith.constant 0 : i32
        %dma_wait3A_36 = tpu.memref_slice %arg4[%add3A, %run_scoped3A_27, %dma_wait3A] : memref<8x3x1024xf32, #tpu.memory_space<hbm>> -> memref<1x1x1024xf32, #tpu.memory_space<hbm>>
        %dma_wait3A_37 = tpu.memref_squeeze %dma_wait3A_36 : memref<1x1x1024xf32, #tpu.memory_space<hbm>> -> memref<1024xf32, #tpu.memory_space<hbm>>
        %dma_wait3A_38 = arith.constant 0 : i32
        %dma_wait3A_39 = tpu.memref_slice %arg4[%add3A, %run_scoped3A_27, %dma_wait3A_38] : memref<8x3x1024xf32, #tpu.memory_space<hbm>> -> memref<1x1x1024xf32, #tpu.memory_space<hbm>>
        %dma_wait3A_40 = tpu.memref_squeeze %dma_wait3A_39 : memref<1x1x1024xf32, #tpu.memory_space<hbm>> -> memref<1024xf32, #tpu.memory_space<hbm>>
        tpu.wait_dma2 semaphore(%run_scoped3A_30 : memref<!tpu.dma_semaphore, #tpu.memory_space<semaphore_mem>>) src(%arg9 : memref<1024xf32, #tpu.memory_space<vmem>>) dst(%dma_wait3A_40 : memref<1024xf32, #tpu.memory_space<hbm>>)
        tpu.yield
      }) : () -> ()
      %run_scoped3A_28 = arith.constant 1 : i32
      "tpu.region"() ({
        %run_scoped3A_30 = tpu.sem_alloc : memref<!tpu.dma_semaphore, #tpu.memory_space<semaphore_mem>>
        %dma_start3A = arith.constant 0 : i32
        %dma_start3A_31 = tpu.memref_slice %arg4[%add3A, %run_scoped3A_28, %dma_start3A] : memref<8x3x1024xf32, #tpu.memory_space<hbm>> -> memref<1x1x1024xf32, #tpu.memory_space<hbm>>
        %dma_start3A_32 = tpu.memref_squeeze %dma_start3A_31 : memref<1x1x1024xf32, #tpu.memory_space<hbm>> -> memref<1024xf32, #tpu.memory_space<hbm>>
        %dma_start3A_33 = arith.constant 0 : i32
        %dma_start3A_34 = tpu.memref_slice %arg4[%add3A, %run_scoped3A_28, %dma_start3A_33] : memref<8x3x1024xf32, #tpu.memory_space<hbm>> -> memref<1x1x1024xf32, #tpu.memory_space<hbm>>
        %dma_start3A_35 = tpu.memref_squeeze %dma_start3A_34 : memref<1x1x1024xf32, #tpu.memory_space<hbm>> -> memref<1024xf32, #tpu.memory_space<hbm>>
        tpu.enqueue_dma source(%arg10 : memref<1024xf32, #tpu.memory_space<vmem>>) target(%dma_start3A_35 : memref<1024xf32, #tpu.memory_space<hbm>>) target_semaphore(%run_scoped3A_30 : memref<!tpu.dma_semaphore, #tpu.memory_space<semaphore_mem>>)
        %dma_wait3A = arith.constant 0 : i32
        %dma_wait3A_36 = tpu.memref_slice %arg4[%add3A, %run_scoped3A_28, %dma_wait3A] : memref<8x3x1024xf32, #tpu.memory_space<hbm>> -> memref<1x1x1024xf32, #tpu.memory_space<hbm>>
        %dma_wait3A_37 = tpu.memref_squeeze %dma_wait3A_36 : memref<1x1x1024xf32, #tpu.memory_space<hbm>> -> memref<1024xf32, #tpu.memory_space<hbm>>
        %dma_wait3A_38 = arith.constant 0 : i32
        %dma_wait3A_39 = tpu.memref_slice %arg4[%add3A, %run_scoped3A_28, %dma_wait3A_38] : memref<8x3x1024xf32, #tpu.memory_space<hbm>> -> memref<1x1x1024xf32, #tpu.memory_space<hbm>>
        %dma_wait3A_40 = tpu.memref_squeeze %dma_wait3A_39 : memref<1x1x1024xf32, #tpu.memory_space<hbm>> -> memref<1024xf32, #tpu.memory_space<hbm>>
        tpu.wait_dma2 semaphore(%run_scoped3A_30 : memref<!tpu.dma_semaphore, #tpu.memory_space<semaphore_mem>>) src(%arg10 : memref<1024xf32, #tpu.memory_space<vmem>>) dst(%dma_wait3A_40 : memref<1024xf32, #tpu.memory_space<hbm>>)
        tpu.yield
      }) : () -> ()
      %run_scoped3A_29 = arith.constant 2 : i32
      "tpu.region"() ({
        %run_scoped3A_30 = tpu.sem_alloc : memref<!tpu.dma_semaphore, #tpu.memory_space<semaphore_mem>>
        %dma_start3A = arith.constant 0 : i32
        %dma_start3A_31 = tpu.memref_slice %arg4[%add3A, %run_scoped3A_29, %dma_start3A] : memref<8x3x1024xf32, #tpu.memory_space<hbm>> -> memref<1x1x1024xf32, #tpu.memory_space<hbm>>
        %dma_start3A_32 = tpu.memref_squeeze %dma_start3A_31 : memref<1x1x1024xf32, #tpu.memory_space<hbm>> -> memref<1024xf32, #tpu.memory_space<hbm>>
        %dma_start3A_33 = arith.constant 0 : i32
        %dma_start3A_34 = tpu.memref_slice %arg4[%add3A, %run_scoped3A_29, %dma_start3A_33] : memref<8x3x1024xf32, #tpu.memory_space<hbm>> -> memref<1x1x1024xf32, #tpu.memory_space<hbm>>
        %dma_start3A_35 = tpu.memref_squeeze %dma_start3A_34 : memref<1x1x1024xf32, #tpu.memory_space<hbm>> -> memref<1024xf32, #tpu.memory_space<hbm>>
        tpu.enqueue_dma source(%arg11 : memref<1024xf32, #tpu.memory_space<vmem>>) target(%dma_start3A_35 : memref<1024xf32, #tpu.memory_space<hbm>>) target_semaphore(%run_scoped3A_30 : memref<!tpu.dma_semaphore, #tpu.memory_space<semaphore_mem>>)
        %dma_wait3A = arith.constant 0 : i32
        %dma_wait3A_36 = tpu.memref_slice %arg4[%add3A, %run_scoped3A_29, %dma_wait3A] : memref<8x3x1024xf32, #tpu.memory_space<hbm>> -> memref<1x1x1024xf32, #tpu.memory_space<hbm>>
        %dma_wait3A_37 = tpu.memref_squeeze %dma_wait3A_36 : memref<1x1x1024xf32, #tpu.memory_space<hbm>> -> memref<1024xf32, #tpu.memory_space<hbm>>
        %dma_wait3A_38 = arith.constant 0 : i32
        %dma_wait3A_39 = tpu.memref_slice %arg4[%add3A, %run_scoped3A_29, %dma_wait3A_38] : memref<8x3x1024xf32, #tpu.memory_space<hbm>> -> memref<1x1x1024xf32, #tpu.memory_space<hbm>>
        %dma_wait3A_40 = tpu.memref_squeeze %dma_wait3A_39 : memref<1x1x1024xf32, #tpu.memory_space<hbm>> -> memref<1024xf32, #tpu.memory_space<hbm>>
        tpu.wait_dma2 semaphore(%run_scoped3A_30 : memref<!tpu.dma_semaphore, #tpu.memory_space<semaphore_mem>>) src(%arg11 : memref<1024xf32, #tpu.memory_space<vmem>>) dst(%dma_wait3A_40 : memref<1024xf32, #tpu.memory_space<hbm>>)
        tpu.yield
      }) : () -> ()
    } else {
    }
    return
  }
}

</mosaic_0001>

<sc_bundles>
// kernel: kernel.4.cloned.1.call-start
scs
__scs_entry_jumppad:
0x0: {  	(pc) =	sbr.rel $0x88, $3  }
0x1: {  	(tag) =	ssettag $0x0;
	lr =	simm.s32 $0x1  }
0x2: {  	[smem:$0x3F9F] =	sst lr;
	_ =	strace $0xD0000000  }
0x3: {  	_ = 	snop  }
0x4: {  	_ = 	snop  }
0x5: {  	_ = 	snop  }
0x6: {  	_ = 	snop  }
0x7: {  	_ = 	snop  }
__scs_overlays_trampoline_lowered:
0x8: {  	[smem:$0x3FAE] =	sst s0  }
0x9: {  	[smem:$0x3FAF] =	sst s1  }
0xa: {  	[smem:$0x3FB0] =	sst s2  }
0xb: {  	[smem:$0x3FB1] =	sst s3  }
0xc: {  	[smem:$0x3FB2] =	sst s4  }
0xd: {  	[smem:$0x3FB3] =	sst s5  }
0xe: {  	[smem:$0x3FB4] =	sst s6  }
0xf: {  	[smem:$0x3FB5] =	sst s7  }
0x10: {  	[smem:$0x3FB6] =	sst s8  }
0x11: {  	[smem:$0x3FB7] =	sst s9;
	s0 =	simm.s32 @!p0 $0x0  }
0x12: {  	s1 =	sld [smem:$0x3F9D];
	s0 =	simm.s32 @p0 $0x1  }
0x13: {  	[smem:$0x3FB8] =	sst s0;
	s0 =	simm.s32 @!p1 $0x0  }
0x14: {  	s2 =	sld [smem:$0x3F9C];
	s0 =	simm.s32 @p1 $0x1  }
0x15: {  	[smem:$0x3FB9] =	sst s0;
	s0 =	simm.s32 @!p2 $0x0  }
0x16: {  	s3 =	sld [smem:$0x3FDB];
	s0 =	simm.s32 @p2 $0x1  }
0x17: {  	s4 =	simm.s32 $0x1BF5;
	[smem:$0x3FBB] =	sst s0  }
0x18: {  	s0 =	sld [smem:$0x3F9E];
	_ =	swait.ge [sflag:s4], $0x0  }
0x19: {  	s7 =	sld [smem:$0x3F9F]  }
0x1a: {  	s8 =	sadd.s32 $0xFFFFE003, lr  }
0x1b: {  	s9 =	sadd.s32 $0xFFFFFEF7, lr;
	s5 =	simm.s32 $0xFFFFFFFF;
	p2 =	slt.u32 s8, $0xFFFFF086  }
0x1c: {  	p1 =	slt.u32 s9, $0xF7A;
	s5 =	simm.s32 @!p2 $0x0  }
0x1d: {  	s5 =	simm.s32 @p1 $0x1;
	p0 =	seq.s32 s7, s2  }
0x1e: {  	s7 =	smul.u32 @!p0 $0xF7A, s2;
	p2 =	seq.s32 @!p0 s5, $0x0  }
0x1f: {  	s9 =	smul.u32 $0xF7A, s1;
	s8 =	simm.s32 @!p0 $0x1BF5;
	p2 =	por !p2, p0  }
0x20: {  	[sflag:s8] =	ssyncset.s32 @!p0 $0xFFFFF086;
	s6 =	sadd.s32 @!p0 s3, s7;
	s7 =	simm.s32 @!p0 $0x108  }
0x21: {  	s3 =	sadd.s32 s3, s9;
	s6 =	sadd.s32 @!p0 $0x88, s6;
	s7 =	simm.s32 @p2 $0x1082  }
0x22: {  	[simem:s7], [sflag:s8] =	dma.local @!p0 [hbm:s6], $0xF7A  }
0x23: {  	s9 =	sor.u32 $0xD0000000, s2;
	s6 =	simm.s32 $0x108;
	_ =	swait.ge @!p0 [sflag:s8], $0x0  }
0x24: {  	s3 =	sadd.s32 $0x88, s3;
	s6 =	simm.s32 @!p1 $0x1082;
	[sflag:s4] =	ssyncset.s32 $0xFFFFF086  }
0x25: {  	[simem:s6], [sflag:s4] =	dma.local [hbm:s3], $0xF7A  }
0x26: {  	[smem:$0x3F9F] =	sst s1;
	(tag) =	ssettag s2;
	_ =	strace s9  }
0x27: {  	s1 =	sld [smem:$0x3FAF]  }
0x28: {  	s2 =	sld [smem:$0x3FB0]  }
0x29: {  	s4 =	sld [smem:$0x3FB2]  }
0x2a: {  	p0 =	seq.s32 s5, $0x0;
	s5 =	sld [smem:$0x3FB3]  }
0x2b: {  	s6 =	sld [smem:$0x3FB4]  }
0x2c: {  	s7 =	sld [smem:$0x3FB5]  }
0x2d: {  	s3 =	simm.s32 $0x108;
	s8 =	sld [smem:$0x3FB6]  }
0x2e: {  	s3 =	simm.s32 @!p0 $0x1082;
	s9 =	sld [smem:$0x3FB7]  }
0x2f: {  	lr =	sadd.s32 s0, s3;
	s0 =	sld [smem:$0x3FAE]  }
0x30: {  	s3 =	sld [smem:$0x3FB1]  }
0x31: {  	[smem:$0x3FBA] =	sst s10  }
0x32: {  	s10 =	sld [smem:$0x3FB8];
	_ =	sdelay $0x3  }
0x33: {  	p0 =	seq.s32 s10, $0x1;
	s10 =	sld [smem:$0x3FBA];
	_ =	sdelay $0x3  }
0x34: {  	[smem:$0x3FBA] =	sst s10  }
0x35: {  	s10 =	sld [smem:$0x3FB9];
	_ =	sdelay $0x3  }
0x36: {  	p1 =	seq.s32 s10, $0x1;
	s10 =	sld [smem:$0x3FBA];
	_ =	sdelay $0x3  }
0x37: {  	[smem:$0x3FBA] =	sst s10  }
0x38: {  	s10 =	sld [smem:$0x3FBB]  }
0x39: {  	_ = 	snop;
	(pc) =	sbr.ind lr, $3  }
0x3a: {  	_ = 	snop  }
0x3b: {  	_ = 	snop  }
0x3c: {  	p2 =	seq.s32 s10, $0x1;
	s10 =	sld [smem:$0x3FBA]  }
0x3d: {  	_ =	shalt  }
0x3e: {  	_ =	shalt  }
0x3f: {  	_ =	shalt  }
0x40: {  	_ =	shalt  }
0x41: {  	_ =	shalt  }
0x42: {  	_ =	shalt  }
0x43: {  	_ =	shalt  }
0x44: {  	_ =	shalt  }
0x45: {  	_ =	shalt  }
0x46: {  	_ =	shalt  }
0x47: {  	_ =	shalt  }
0x48: {  	_ =	shalt  }
0x49: {  	_ =	shalt  }
0x4a: {  	_ =	shalt  }
0x4b: {  	_ =	shalt  }
0x4c: {  	_ =	shalt  }
0x4d: {  	_ =	shalt  }
0x4e: {  	_ =	shalt  }
0x4f: {  	_ =	shalt  }
0x50: {  	_ =	shalt  }
0x51: {  	_ =	shalt  }
0x52: {  	_ =	shalt  }
0x53: {  	_ =	shalt  }
0x54: {  	_ =	shalt  }
0x55: {  	_ =	shalt  }
0x56: {  	_ =	shalt  }
0x57: {  	_ =	shalt  }
0x58: {  	_ =	shalt  }
0x59: {  	_ =	shalt  }
0x5a: {  	_ =	shalt  }
0x5b: {  	_ =	shalt  }
0x5c: {  	_ =	shalt  }
0x5d: {  	_ =	shalt  }
0x5e: {  	_ =	shalt  }
0x5f: {  	_ =	shalt  }
0x60: {  	_ =	shalt  }
0x61: {  	_ =	shalt  }
0x62: {  	_ =	shalt  }
0x63: {  	_ =	shalt  }
0x64: {  	_ =	shalt  }
0x65: {  	_ =	shalt  }
0x66: {  	_ =	shalt  }
0x67: {  	_ =	shalt  }
0x68: {  	_ =	shalt  }
0x69: {  	_ =	shalt  }
0x6a: {  	_ =	shalt  }
0x6b: {  	_ =	shalt  }
0x6c: {  	_ =	shalt  }
0x6d: {  	_ =	shalt  }
0x6e: {  	_ =	shalt  }
0x6f: {  	_ =	shalt  }
0x70: {  	_ =	shalt  }
0x71: {  	_ =	shalt  }
0x72: {  	_ =	shalt  }
0x73: {  	_ =	shalt  }
0x74: {  	_ =	shalt  }
0x75: {  	_ =	shalt  }
0x76: {  	_ =	shalt  }
0x77: {  	_ =	shalt  }
0x78: {  	_ =	shalt  }
0x79: {  	_ =	shalt  }
0x7a: {  	_ =	shalt  }
0x7b: {  	_ =	shalt  }
0x7c: {  	_ =	shalt  }
0x7d: {  	_ =	shalt  }
0x7e: {  	_ =	shalt  }
0x7f: {  	_ =	shalt  }
0x80: {  	_ =	shalt  }
0x81: {  	_ =	shalt  }
0x82: {  	_ =	shalt  }
0x83: {  	_ =	shalt  }
0x84: {  	_ =	shalt  }
0x85: {  	_ =	shalt  }
0x86: {  	_ =	shalt  }
0x87: {  	_ =	shalt  }
.Lfunc_end0:
.L_simem_size_0:
called_computation.1_lowered:
.L_overlay_start_0:
0x88: {  	s2 =	sld [smem:$0x3FD9]  }
0x89: {  	s3 =	sld [smem:$0x3FFE];
	_ =	sdelay $0x1  }
0x8a: {  	s1 =	srdreg.scid  }
0x8b: {  	s0 =	sand.u32 $0x1, s1  }
0x8c: {  	s14 =	sshll.u32 s0, $0xA;
	s2 =	sadd.s32 s3, s2  }
0x8d: {  	s2 =	sadd.s32 s2, s14  }
0x8e: {  	[smem:$0x3FC6] =	sst s2  }
0x8f: {  	_ = 	snop  }
0x90: {  	s2 =	sld [smem:$0x3FD0];
	_ =	sdelay $0x2  }
0x91: {  	s15 =	simm.s32 $0xA;
	s4 =	simm.s32 $0x10  }
0x92: {  	[smem:s4], [sflag:s15] =	dma.local [hbm:s2], $0x1  }
0x93: {  	_ =	swait.eq [sflag:s15], $0x1  }
0x94: {  	[sflag:s15] =	ssyncset.done $0x0  }
0x95: {  	s16 =	sld [smem:$0x10];
	[sflag:s15] =	ssyncadd.s32 $0xFFFFFFFF  }
0x96: {  	s17 =	sld [smem:$0x11];
	(tm) =	ssettm $0x1  }
0x97: {  	s18 =	sld [smem:$0x3FFB];
	_ =	sdelay $0x3  }
0x98: {  	_ =	strace s18  }
0x99: {  	s4 =	sld [smem:$0x3FFC];
	_ =	sdelay $0x3  }
0x9a: {  	_ =	strace s4  }
0x9b: {  	s4 =	sld [smem:$0x3FFD];
	_ =	sdelay $0x3  }
0x9c: {  	_ =	strace s4  }
0x9d: {  	_ =	strace $0x8FFFFFFF  }
0x9e: {  	s19 =	sld [smem:$0x3FDB];
	_ =	sdelay $0x1  }
0x9f: {  	s5 =	simm.s32 $_scs_section_size  }
0xa0: {  	s6 =	simm.s32 $_size__tile_overlayer_lowered;
	s7 =	simm.s32 $_tile_overlayer_lowered  }
0xa1: {  	s22 =	simm.s32 $0x1BFF;
	s21 =	sshll.u32 s7, $0x1;
	s4 =	sadd.s32 s5, s19  }
0xa2: {  	s8 =	simm.s32 $0x0;
	s20 =	sshll.u32 s6, $0x1;
	s6 =	sadd.s32 s21, s4  }
0xa3: {  	[timem:s8], [sflag:s22] =	dma.local [hbm:s6], s20  }
0xa4: {  	_ =	swait.ge [sflag:s22], s20  }
0xa5: {  	s5 =	ssub.s32 $0x0, s20;
	[sflag:s22] =	ssyncset.done $0x0  }
0xa6: {  	[sflag:s22] =	ssyncadd.s32 s5;
	_ =	sdelay $0x1  }
0xa7: {  	s23 =	simm.s32 $0x1B8B  }
0xa8: {  	_ =	swait.ge [sflag:s23], $0x1  }
0xa9: {  	[sflag:s23] =	ssyncset.done $0x0  }
0xaa: {  	s25 =	simm.s32 $0x1B8E;
	s24 =	sld [smem:$0x3FFE];
	[sflag:s23] =	ssyncadd.s32 $0xFFFFFFFF  }
0xab: {  	s26 =	simm.s32 $execute0_lowered;
	[smem:$0x3FD2] =	sst s25  }
0xac: {  	s6 =	sshll.u32 s26, $0x1;
	_ =	strace $0x80000046;
	[dreg:$0x1] =	wrdreg $0xFFFFFFFF  }
0xad: {  	s28 =	simm.s32 $_size_execute0_lowered;
	s4 =	sadd.s32 s4, s6;
	[dreg:$0x0] =	wrdreg $0x0  }
0xae: {  	s6 =	sshll.u32 s28, $0x1;
	[dreg:$0x2] =	wrdreg s4  }
0xaf: {  	[dreg:$0x3] =	wrdreg s6  }
0xb0: {  	[dreg:$0x4] =	wrdreg $0xC0  }
0xb1: {  	_ =	task [dreg:s8], $0x5FFFF  }
0xb2: {  	[dreg:$0x1] =	wrdreg $0xFFFFFFFF  }
0xb3: {  	[dreg:$0x0] =	wrdreg $0x60  }
0xb4: {  	[dreg:$0x2] =	wrdreg s24  }
0xb5: {  	[dreg:$0x3] =	wrdreg s17  }
0xb6: {  	[dreg:$0x4] =	wrdreg s16  }
0xb7: {  	[dreg:$0x5] =	wrdreg $0x9  }
0xb8: {  	_ =	task.clear_ibuf [dreg:s8], $0x6FFFF;
	_ =	strace $0x90000046  }
0xb9: {  	s29 =	simm.s32 $0x9;
	_ =	strace $0x80000048  }
0xba: {  	_ =	swait.ge [sflag:s29], $0x1  }
0xbb: {  	[sflag:s29] =	ssyncadd.s32 $0xFFFFFFFF  }
0xbc: {  	_ =	strace $0x90000048  }
0xbd: {  	_ =	sfence  }
0xbe: {  	s30 =	sld [smem:$0x0];
	_ =	sdelay $0x2  }
0xbf: {  	s31 =	sshll.u32 s1, $0xD;
	s1 =	sshrl.u32 s1, $0x2  }
0xc0: {  	s3 =	sand.u32 $0x4000, s31;
	s1 =	sadd.s32 s1, s30  }
0xc1: {  	s0 =	sor.u32 s3, s0;
	s1 =	sshll.u32 s1, $0x11  }
0xc2: {  	s0 =	sor.u32 s1, s0  }
0xc3: {  	s0 =	sadd.s32 $0x8F2B, s0  }
0xc4: {  	[sflag:s0] =	ssyncadd.remote.s32 $0x1  }
0xc5: {  	_ =	sfence.sel $0xFFFF  }
0xc6: {  	[dreg:$0x0] =	wrdreg $0xFFFFFFFF;
	(pc) =	sbr.abs _section_cstart, $3  }
0xc7: {  	[dreg:$0x1] =	wrdreg $0xFFFFFFFF  }
0xc8: {  	_ =	task.clear_ibuf [dreg:s8], $0x2FFFF;
	_ =	strace $0x9FFFFFFF  }
0xc9: {  	(tm) =	ssettm $0x7FFFFFFF  }
tec
execute0_lowered:
.L_overlay_start_1:
0x0: {  	(tag) =	ssettag $0x1  }
0x1: {  	s1 =	stileid.u32  }
0x2: {  	p0 =	sgt.u32 s1, $0x3  }
.Ltmp0:
0x3: {  	s3 =	rddreg [dreg:$0x0];
	(pc) =	sbr.rel @p0 .LBB2_9-.Ltmp0, $4  }
0x4: {  	s6 =	rddreg [dreg:$0x1]  }
0x5: {  	s7 =	rddreg [dreg:$0x2];
	s2 =	simm.s32 $0x0  }
0x6: {  	[smem:$0x7FF] =	sst s2  }
0x7: {  	s0 =	rddreg [dreg:$0x3];
	_ =	strace $0x80000047  }
0x8: {  	s4 =	srdreg.scid  }
0x9: {  	s30 =	sshll.u32 s1, $0x1;
	s8 =	sand.u32 $0x1, s4  }
0xa: {  	s3 =	sadd.s32 $0x1800, s3;
	s5 =	sor.u32 s8, s30  }
0xb: {  	s12 =	simm.s32 $0x1000;
	s13 =	simm.s32 $0x2000;
	s4 =	smul.u32 $0x3000, s5  }
0xc: {  	s14 =	simm.s32 $0x4C00;
	s15 =	simm.s32 $0x4000;
	s9 =	smul.u32 $0xC00, s5  }
0xd: {  	s16 =	simm.s32 $0x4400;
	s11 =	ssub.s32 $0x2, s8;
	s10 =	smul.u32 $0x6, s5  }
0xe: {  	s17 =	simm.s32 $0x4800;
	s18 =	simm.s32 $0x0;
	s31 =	sshrl.u32 s11, $0x1  }
0xf: {  	s4 =	sshrl.u32 s4, $0x3;
	s9 =	sshrl.u32 s9, $0x3;
	s6 =	sadd.s32 s6, s10  }
0x10: {  	s10 =	ssub.s32 s11, s31;
	s11 =	simm.s32 $0x1;
	s3 =	sadd.s32 s3, s4  }
0x11: {  	s7 =	sadd.s32 s7, s9;
	s10 =	smax.u32 s10, $0x1;
	s4 =	sadd.s32 $0x200, s3  }
0x12: {  	v0 =	vimm.f32 $+Inf;
	v1 =	vimm.s32 $0x0;
	v2 =	vlaneseq.u32;
	s5 =	sadd.s32 $0x400, s3;
	s8 =	sadd.s32 $0x80, s7;
	s9 =	sadd.s32 $0x100, s7  }
.LBB2_2:
0x13: {  	s19 =	simm.s32 $0x0  }
0x14: {  	[tilespmem:s19], [sflag:$0x1] =	stream.linear.gather [hbm4b:s3+s19], $0x1000, $0x38;
	[tilespmem:$0x4C30] =	vst v63  }
0x15: {  	_ =	swait.ge [sflag:s11], $0x1000  }
0x16: {  	[sflag:s11] =	ssyncset.done $0x0  }
0x17: {  	[sflag:s11] =	ssyncadd.s32 $0xFFFFF000  }
0x18: {  	[tilespmem:s12], [sflag:$0x1] =	stream.linear.gather [hbm4b:s4+s19], $0x1000, $0x38;
	[tilespmem:$0x4C30] =	vst v63  }
0x19: {  	_ =	swait.ge [sflag:s11], $0x1000  }
0x1a: {  	[sflag:s11] =	ssyncset.done $0x0  }
0x1b: {  	[sflag:s11] =	ssyncadd.s32 $0xFFFFF000  }
0x1c: {  	[tilespmem:s13], [sflag:$0x1] =	stream.linear.gather [hbm4b:s5+s19], $0x1000, $0x38;
	[tilespmem:$0x4C30] =	vst v63  }
0x1d: {  	_ =	swait.ge [sflag:s11], $0x1000  }
0x1e: {  	[sflag:s11] =	ssyncset.done $0x0  }
0x1f: {  	[sflag:s11] =	ssyncadd.s32 $0xFFFFF000  }
0x20: {  	[tilespmem:s14], [sflag:$0x1] =	stream.linear.gather [hbm4b:s6+s19], $0x30, $0x38;
	[tilespmem:$0x4C30] =	vst v63  }
0x21: {  	_ =	swait.ge [sflag:s11], $0x30  }
0x22: {  	[sflag:s11] =	ssyncset.done $0x0  }
0x23: {  	s20 =	simm.s32 $0x0;
	s19 =	simm.s32 $0x40;
	[sflag:s11] =	ssyncadd.s32 $0xFFFFFFD0  }
.LBB2_3:
0x24: {  	p0 =	sne.s32 s19, $0x3FC0;
	[tilespmem:s20+$0x3000] =	vst v0;
	s20 =	smov.u32 s19;
	s19 =	sadd.s32 $0x40, s19  }
.Ltmp1:
0x25: {  	(pc) =	sbr.rel @p0 .LBB2_3-.Ltmp1, $2  }
0x26: {  	_ =	sdelay $0x2  }
0x27: {  	s20 =	sshra.s32 s20, $0x2  }
0x28: {  	[tilespmem:s20+$0x3000] =	vst v0  }
0x29: {  	v3 =	vld [tilespmem:$0x4C00]  }
0x2a: {  	v4 =	vld [tilespmem:$0x4C10]  }
0x2b: {  	v5 =	vld [tilespmem:$0x4C20];
	_ =	sdelay $0x2  }
0x2c: {  	[tilespmem:v1+s15+$0x0] =	vst.idx.msk $0x1, v3  }
0x2d: {  	[tilespmem:v1+s16+$0x0] =	vst.idx.msk $0x1, v4  }
0x2e: {  	s19 =	simm.s32 $0x1;
	[tilespmem:v1+s17+$0x0] =	vst.idx.msk $0x1, v5  }
.LBB2_5:
0x2f: {  	s20 =	simm.s32 $0x20  }
0x30: {  	s23 =	simm.s32 $0x2020;
	v6 =	vld [tilespmem:s20+$0xFFFFFFE0]  }
0x31: {  	v7 =	vld [tilespmem:s23+$0xFFFFFFE0]  }
0x32: {  	s21 =	simm.s32 $0x1020  }
0x33: {  	v8 =	vld [tilespmem:s21+$0xFFFFFFE0];
	_ =	sdelay $0x2  }
0x34: {  	v6 =	vsub.f32 v6, v3;
	v7 =	vsub.f32 v7, v5;
	_ =	sdelay $0x1  }
0x35: {  	s22 =	simm.s32 $0x3020;
	v8 =	vsub.f32 v8, v4;
	v6 =	vmul.f32 v6, v6;
	v7 =	vmul.f32 v7, v7  }
0x36: {  	v9 =	vld [tilespmem:s22+$0xFFFFFFE0]  }
0x37: {  	v6 =	vadd.f32 v7, v6;
	v7 =	vmul.f32 v8, v8;
	_ =	sdelay $0x1  }
0x38: {  	v6 =	vadd.f32 v6, v7;
	_ =	sdelay $0x1  }
0x39: {  	v7 =	vmin.f32 v9, v6  }
0x3a: {  	[tilespmem:s22+$0xFFFFFFE0] =	vst v7  }
0x3b: {  	v6 =	vld [tilespmem:s20+$0xFFFFFFF0]  }
0x3c: {  	v8 =	vld [tilespmem:s23+$0xFFFFFFF0];
	_ =	sdelay $0x1  }
0x3d: {  	v9 =	vld [tilespmem:s21+$0xFFFFFFF0];
	_ =	sdelay $0x2  }
0x3e: {  	v6 =	vsub.f32 v6, v3;
	v8 =	vsub.f32 v8, v5;
	_ =	sdelay $0x1  }
0x3f: {  	v9 =	vsub.f32 v9, v4;
	v6 =	vmul.f32 v6, v6;
	v8 =	vmul.f32 v8, v8  }
0x40: {  	v10 =	vld [tilespmem:s22+$0xFFFFFFF0]  }
0x41: {  	v6 =	vadd.f32 v8, v6;
	v8 =	vmul.f32 v9, v9;
	_ =	sdelay $0x1  }
0x42: {  	v6 =	vadd.f32 v6, v8;
	_ =	sdelay $0x1  }
0x43: {  	v8 =	vmin.f32 v10, v6  }
0x44: {  	[tilespmem:s22+$0xFFFFFFF0] =	vst v8  }
0x45: {  	v6 =	vld [tilespmem:s20+$0x0]  }
0x46: {  	v9 =	vld [tilespmem:s23+$0x0];
	_ =	sdelay $0x1  }
0x47: {  	v10 =	vld [tilespmem:s21+$0x0];
	_ =	sdelay $0x2  }
0x48: {  	v6 =	vsub.f32 v6, v3;
	v9 =	vsub.f32 v9, v5;
	_ =	sdelay $0x1  }
0x49: {  	v10 =	vsub.f32 v10, v4;
	v6 =	vmul.f32 v6, v6;
	v9 =	vmul.f32 v9, v9  }
0x4a: {  	v11 =	vld [tilespmem:s22+$0x0]  }
0x4b: {  	v6 =	vadd.f32 v9, v6;
	v9 =	vmul.f32 v10, v10;
	_ =	sdelay $0x1  }
0x4c: {  	v6 =	vadd.f32 v6, v9;
	_ =	sdelay $0x1  }
0x4d: {  	v6 =	vmin.f32 v11, v6  }
0x4e: {  	[tilespmem:s22+$0x0] =	vst v6  }
0x4f: {  	v9 =	vld [tilespmem:s20+$0x10]  }
0x50: {  	v10 =	vld [tilespmem:s23+$0x10]  }
0x51: {  	v11 =	vimm.f32 $-Inf;
	v12 =	vld [tilespmem:s21+$0x10]  }
0x52: {  	vm2 =	vgt.f32 v7, v11  }
0x53: {  	v7 =	vsel vm2, v7, v11  }
0x54: {  	v11 =	vimm.s32 $0x0;
	vm0 =	vgt.f32 v8, v7  }
0x55: {  	s31 =	simm.s32 $0x0;
	v7 =	vsel vm0, v8, v7;
	v13 =	vsub.f32 v9, v3;
	v14 =	vsub.f32 v10, v5  }
0x56: {  	s24 =	simm.s32 $0x30;
	s25 =	simm.s32 $0x70;
	vm1 =	vgt.f32 v6, v7;
	v9 =	vor.u32 s31, v2;
	v10 =	vsub.f32 v12, v4  }
0x57: {  	s28 =	simm.s32 $0x10;
	s26 =	simm.s32 $0x2060;
	s23 =	simm.s32 $0x3020;
	v8 =	vld [tilespmem:s22+$0x10];
	v9 =	vsel vm2, v9, v11;
	v11 =	vmul.f32 v13, v13;
	v12 =	vmul.f32 v14, v14  }
.LBB2_6:
0x58: {  	s22 =	sadd.s32 $0x40, s22  }
0x59: {  	v13 =	vor.u32 s28, v2;
	s20 =	sadd.s32 $0x40, s20;
	s21 =	sadd.s32 $0x40, s21;
	s28 =	smov.u32 s25  }
0x5a: {  	p0 =	sne.s32 s25, $0xFF0;
	s25 =	sadd.s32 $0x40, s25;
	s29 =	sadd.s32 $0xFFFFFFF0, s24;
	v6 =	vsel vm1, v6, v7;
	v10 =	vmul.f32 v10, v10;
	v7 =	vadd.f32 v12, v11  }
0x5b: {  	v9 =	vsel vm0, v13, v9;
	v11 =	vor.u32 s29, v2  }
0x5c: {  	v9 =	vsel vm1, v11, v9;
	v7 =	vadd.f32 v7, v10;
	_ =	sdelay $0x1  }
0x5d: {  	v7 =	vmin.f32 v8, v7  }
0x5e: {  	v8 =	vor.u32 s24, v2;
	s24 =	smov.u32 s28;
	[tilespmem:s23+$0x10] =	vst v7;
	vm0 =	vgt.f32 v7, v6;
	s23 =	smov.u32 s22  }
0x5f: {  	v10 =	vld [tilespmem:s20+$0xFFFFFFE0];
	v6 =	vsel vm0, v7, v6;
	v9 =	vsel vm0, v8, v9  }
0x60: {  	v7 =	vld [tilespmem:s26+$0xFFFFFFE0];
	_ =	sdelay $0x1  }
0x61: {  	v8 =	vld [tilespmem:s21+$0xFFFFFFE0];
	_ =	sdelay $0x1  }
0x62: {  	v10 =	vsub.f32 v10, v3  }
0x63: {  	v7 =	vsub.f32 v7, v5;
	_ =	sdelay $0x1  }
0x64: {  	v10 =	vmul.f32 v10, v10;
	v8 =	vsub.f32 v8, v4;
	v7 =	vmul.f32 v7, v7  }
0x65: {  	v11 =	vld [tilespmem:s22+$0xFFFFFFE0]  }
0x66: {  	v7 =	vadd.f32 v7, v10;
	v8 =	vmul.f32 v8, v8;
	_ =	sdelay $0x1  }
0x67: {  	v7 =	vadd.f32 v7, v8;
	_ =	sdelay $0x1  }
0x68: {  	v7 =	vmin.f32 v11, v7  }
0x69: {  	[tilespmem:s22+$0xFFFFFFE0] =	vst v7  }
0x6a: {  	v8 =	vld [tilespmem:s20+$0xFFFFFFF0]  }
0x6b: {  	v10 =	vld [tilespmem:s26+$0xFFFFFFF0];
	_ =	sdelay $0x1  }
0x6c: {  	v11 =	vld [tilespmem:s21+$0xFFFFFFF0];
	_ =	sdelay $0x1  }
0x6d: {  	v8 =	vsub.f32 v8, v3  }
0x6e: {  	v10 =	vsub.f32 v10, v5;
	_ =	sdelay $0x1  }
0x6f: {  	v8 =	vmul.f32 v8, v8;
	v11 =	vsub.f32 v11, v4;
	v10 =	vmul.f32 v10, v10  }
0x70: {  	v12 =	vld [tilespmem:s22+$0xFFFFFFF0]  }
0x71: {  	v8 =	vadd.f32 v10, v8;
	v10 =	vmul.f32 v11, v11;
	_ =	sdelay $0x1  }
0x72: {  	v8 =	vadd.f32 v8, v10  }
0x73: {  	vm2 =	vgt.f32 v7, v6  }
0x74: {  	v6 =	vsel vm2, v7, v6;
	v7 =	vmin.f32 v12, v8  }
0x75: {  	[tilespmem:s22+$0xFFFFFFF0] =	vst v7;
	vm0 =	vgt.f32 v7, v6  }
0x76: {  	v8 =	vld [tilespmem:s20+$0x0]  }
0x77: {  	v10 =	vld [tilespmem:s26+$0x0];
	_ =	sdelay $0x1  }
0x78: {  	v11 =	vld [tilespmem:s21+$0x0];
	_ =	sdelay $0x1  }
0x79: {  	v8 =	vsub.f32 v8, v3  }
0x7a: {  	v10 =	vsub.f32 v10, v5  }
0x7b: {  	v8 =	vmul.f32 v8, v8  }
0x7c: {  	v11 =	vsub.f32 v11, v4;
	v10 =	vmul.f32 v10, v10  }
0x7d: {  	v12 =	vld [tilespmem:s22+$0x0]  }
0x7e: {  	v8 =	vadd.f32 v10, v8;
	v10 =	vmul.f32 v11, v11;
	_ =	sdelay $0x1  }
0x7f: {  	v8 =	vadd.f32 v8, v10;
	_ =	sdelay $0x1  }
0x80: {  	v7 =	vsel vm0, v7, v6;
	v6 =	vmin.f32 v12, v8  }
0x81: {  	[tilespmem:s22+$0x0] =	vst v6;
	vm1 =	vgt.f32 v6, v7  }
0x82: {  	v8 =	vld [tilespmem:s20+$0x10]  }
0x83: {  	v10 =	vld [tilespmem:s26+$0x10]  }
0x84: {  	v11 =	vld [tilespmem:s21+$0x10];
	_ =	sdelay $0x1  }
.Ltmp2:
0x85: {  	(pc) =	sbr.rel @p0 .LBB2_6-.Ltmp2, $4  }
0x86: {  	v12 =	vsub.f32 v8, v3;
	v8 =	vld [tilespmem:s22+$0x10]  }
0x87: {  	s28 =	sadd.s32 $0xFFFFFFD0, s24;
	v13 =	vsub.f32 v10, v5  }
0x88: {  	v14 =	vor.u32 s28, v2;
	s28 =	sadd.s32 $0xFFFFFFE0, s24;
	v10 =	vsub.f32 v11, v4  }
0x89: {  	v9 =	vsel vm2, v14, v9;
	s26 =	sadd.s32 $0x40, s26;
	v11 =	vmul.f32 v12, v12;
	v12 =	vmul.f32 v13, v13  }
0x8a: {  	_ = 	snop  }
0x8b: {  	v4 =	vmul.f32 v10, v10;
	v3 =	vadd.f32 v12, v11;
	_ =	sdelay $0x1  }
0x8c: {  	v3 =	vadd.f32 v3, v4;
	_ =	sdelay $0x1  }
0x8d: {  	v4 =	vsel vm1, v6, v7;
	v3 =	vmin.f32 v8, v3  }
0x8e: {  	vm2 =	vgt.f32 v3, v4  }
0x8f: {  	v4 =	vsel vm2, v3, v4  }
0x90: {  	(xrf0) =	vmax.scan.msk.f32 $0xffff, v4;
	_ =	sdelay $0x4  }
0x91: {  	v5 =	vor.u32 s28, v2;
	s20 =	sadd.s32 $0xFFFFFFF0, s24  }
0x92: {  	v5 =	vsel vm0, v5, v9;
	v6 =	vor.u32 s20, v2;
	v7, _, _ =	vpop (xrf0)  }
0x93: {  	v5 =	vsel vm1, v6, v5;
	v6 =	vor.u32 s24, v2;
	v7 =	vbroadcast v7, $0xF  }
0x94: {  	v5 =	vsel vm2, v6, v5  }
0x95: {  	vm15 =	veq.f32 v4, v7;
	v4 =	vxor.u32 $0x80000000, v5  }
0x96: {  	v4 =	vnsel vm15, $0x80001000, v4  }
0x97: {  	(xrf0) =	vmin.scan.msk.u32 $0xffff, v4;
	_ =	sdelay $0x5  }
0x98: {  	v4, _, _ =	vpop (xrf0)  }
0x99: {  	(v2sf) =	vpush v4, $0xF;
	_ =	sdelay $0xe  }
0x9a: {  	s31 =	spop (v2sf)  }
0x9b: {  	s20 =	sxor.u32 $0x80000000, s31  }
0x9c: {  	v5 =	vmov s20;
	_ =	sdelay $0x3  }
0x9d: {  	[tilespmem:s23+$0x10] =	vst v3  }
0x9e: {  	v6 =	vmov s19;
	v3 =	vld.idx.msk [tilespmem:v5+s2+$0x0], $0xffff  }
0x9f: {  	s19 =	sadd.s32 $0x1, s19;
	v4 =	vld.idx.msk [tilespmem:v5+s12+$0x0], $0xffff  }
0xa0: {  	p0 =	sne.s32 s19, $0x400;
	v5 =	vld.idx.msk [tilespmem:v5+s13+$0x0], $0xffff  }
.Ltmp3:
0xa1: {  	_ = 	snop;
	(pc) =	sbr.rel @p0 .LBB2_5-.Ltmp3, $4  }
0xa2: {  	_ = 	snop  }
0xa3: {  	[tilespmem:v6+s15+$0x0] =	vst.idx.msk $0x1, v3  }
0xa4: {  	[tilespmem:v6+s16+$0x0] =	vst.idx.msk $0x1, v4  }
0xa5: {  	[tilespmem:v6+s17+$0x0] =	vst.idx.msk $0x1, v5  }
0xa6: {  	[hbm4b:s7+s2] =	stream.linear.scatter [tilespmem:s15], [sflag:$0x1], $0x400, $0x38;
	[tilespmem:$0x4C30] =	vst v63  }
0xa7: {  	_ =	swait.ge [sflag:s11], $0x400  }
0xa8: {  	[sflag:s11] =	ssyncset.done $0x0  }
0xa9: {  	[sflag:s11] =	ssyncadd.s32 $0xFFFFFC00  }
0xaa: {  	[hbm4b:s8+s2] =	stream.linear.scatter [tilespmem:s16], [sflag:$0x1], $0x400, $0x38;
	[tilespmem:$0x4C30] =	vst v63  }
0xab: {  	s18 =	sadd.s32 $0x1, s18;
	_ =	swait.ge [sflag:s11], $0x400  }
0xac: {  	p0 =	sne.s32 s18, s10;
	[sflag:s11] =	ssyncset.done $0x0  }
.Ltmp4:
0xad: {  	[sflag:s11] =	ssyncadd.s32 $0xFFFFFC00;
	(pc) =	sbr.rel @p0 .LBB2_2-.Ltmp4, $4  }
0xae: {  	[hbm4b:s9+s2] =	stream.linear.scatter [tilespmem:s17], [sflag:$0x1], $0x400, $0x38;
	[tilespmem:$0x4C30] =	vst v63  }
0xaf: {  	_ =	swait.ge [sflag:s11], $0x400  }
0xb0: {  	[sflag:s11] =	ssyncset.done $0x0  }
0xb1: {  	[sflag:s11] =	ssyncadd.s32 $0xFFFFFC00  }
.LBB2_9:
0xb2: {  	_ =	sfence.sel $0x180000  }
0xb3: {  	[bflag:$0x0] =	sbarrier.arrive $0xFFFF  }
0xb4: {  	p0 =	sne.s32 s1, $0x0;
	_ =	strace $0x90000047  }
0xb5: {  	s0 =	sadd.s32 @!p0 $0x100000, s0;
	[bflag:$0x2] =	sbarrier.arrive $0xFFFF  }
0xb6: {  	[sflag:s0] =	ssyncadd.tile.s32 @!p0 $0x1;
	_ =	shalt  }
.Lfunc_end2:
_tile_overlayer_lowered:
.L_overlay_start_2:
0xb7: {  	(tag) =	ssettag $0x2  }
0xb8: {  	s0 =	rddreg [dreg:$0x0];
	s2 =	stileid.u32  }
0xb9: {  	s1 =	rddreg [dreg:$0x1];
	p0 =	sne.s32 s2, $0x0  }
0xba: {  	s3 =	rddreg [dreg:$0x2];
	[bflag:$0x3] =	sbarrier.arrive $0xFFFF;
	s2 =	simm.s32 @!p0 $0x1C01  }
0xbb: {  	[timem:s3], [sflag:s2] =	dma.local @!p0 [hbm:s0], s1  }
0xbc: {  	s0 =	simm.s32 @!p0 $0x1  }
0xbd: {  	_ =	swait.ge @!p0 [sflag:s0], s1  }
0xbe: {  	s1 =	ssub.s32 @!p0 $0x0, s1;
	[sflag:s0] =	ssyncset.done @!p0 $0x0  }
0xbf: {  	[sflag:s0] =	ssyncadd.s32 @!p0 s1  }
0xc0: {  	[bflag:$0x3] =	sbarrier.arrive $0xFFFF  }
0xc1: {  	_ =	shalt  }

// kernel: kernel.7.cloned.1.call-start
scs
__scs_entry_jumppad:
0x0: {  	(pc) =	sbr.rel $0x88, $3  }
0x1: {  	(tag) =	ssettag $0x0;
	lr =	simm.s32 $0x1  }
0x2: {  	[smem:$0x3F9F] =	sst lr;
	_ =	strace $0xD0000000  }
0x3: {  	_ = 	snop  }
0x4: {  	_ = 	snop  }
0x5: {  	_ = 	snop  }
0x6: {  	_ = 	snop  }
0x7: {  	_ = 	snop  }
__scs_overlays_trampoline_lowered:
0x8: {  	[smem:$0x3FAE] =	sst s0  }
0x9: {  	[smem:$0x3FAF] =	sst s1  }
0xa: {  	[smem:$0x3FB0] =	sst s2  }
0xb: {  	[smem:$0x3FB1] =	sst s3  }
0xc: {  	[smem:$0x3FB2] =	sst s4  }
0xd: {  	[smem:$0x3FB3] =	sst s5  }
0xe: {  	[smem:$0x3FB4] =	sst s6  }
0xf: {  	[smem:$0x3FB5] =	sst s7  }
0x10: {  	[smem:$0x3FB6] =	sst s8  }
0x11: {  	[smem:$0x3FB7] =	sst s9;
	s0 =	simm.s32 @!p0 $0x0  }
0x12: {  	s1 =	sld [smem:$0x3F9D];
	s0 =	simm.s32 @p0 $0x1  }
0x13: {  	[smem:$0x3FB8] =	sst s0;
	s0 =	simm.s32 @!p1 $0x0  }
0x14: {  	s2 =	sld [smem:$0x3F9C];
	s0 =	simm.s32 @p1 $0x1  }
0x15: {  	[smem:$0x3FB9] =	sst s0;
	s0 =	simm.s32 @!p2 $0x0  }
0x16: {  	s3 =	sld [smem:$0x3FDB];
	s0 =	simm.s32 @p2 $0x1  }
0x17: {  	s4 =	simm.s32 $0x1BF5;
	[smem:$0x3FBB] =	sst s0  }
0x18: {  	s0 =	sld [smem:$0x3F9E];
	_ =	swait.ge [sflag:s4], $0x0  }
0x19: {  	s7 =	sld [smem:$0x3F9F]  }
0x1a: {  	s8 =	sadd.s32 $0xFFFFE003, lr  }
0x1b: {  	s9 =	sadd.s32 $0xFFFFFEF7, lr;
	s5 =	simm.s32 $0xFFFFFFFF;
	p2 =	slt.u32 s8, $0xFFFFF086  }
0x1c: {  	p1 =	slt.u32 s9, $0xF7A;
	s5 =	simm.s32 @!p2 $0x0  }
0x1d: {  	s5 =	simm.s32 @p1 $0x1;
	p0 =	seq.s32 s7, s2  }
0x1e: {  	s7 =	smul.u32 @!p0 $0xF7A, s2;
	p2 =	seq.s32 @!p0 s5, $0x0  }
0x1f: {  	s9 =	smul.u32 $0xF7A, s1;
	s8 =	simm.s32 @!p0 $0x1BF5;
	p2 =	por !p2, p0  }
0x20: {  	[sflag:s8] =	ssyncset.s32 @!p0 $0xFFFFF086;
	s6 =	sadd.s32 @!p0 s3, s7;
	s7 =	simm.s32 @!p0 $0x108  }
0x21: {  	s3 =	sadd.s32 s3, s9;
	s6 =	sadd.s32 @!p0 $0x88, s6;
	s7 =	simm.s32 @p2 $0x1082  }
0x22: {  	[simem:s7], [sflag:s8] =	dma.local @!p0 [hbm:s6], $0xF7A  }
0x23: {  	s9 =	sor.u32 $0xD0000000, s2;
	s6 =	simm.s32 $0x108;
	_ =	swait.ge @!p0 [sflag:s8], $0x0  }
0x24: {  	s3 =	sadd.s32 $0x88, s3;
	s6 =	simm.s32 @!p1 $0x1082;
	[sflag:s4] =	ssyncset.s32 $0xFFFFF086  }
0x25: {  	[simem:s6], [sflag:s4] =	dma.local [hbm:s3], $0xF7A  }
0x26: {  	[smem:$0x3F9F] =	sst s1;
	(tag) =	ssettag s2;
	_ =	strace s9  }
0x27: {  	s1 =	sld [smem:$0x3FAF]  }
0x28: {  	s2 =	sld [smem:$0x3FB0]  }
0x29: {  	s4 =	sld [smem:$0x3FB2]  }
0x2a: {  	p0 =	seq.s32 s5, $0x0;
	s5 =	sld [smem:$0x3FB3]  }
0x2b: {  	s6 =	sld [smem:$0x3FB4]  }
0x2c: {  	s7 =	sld [smem:$0x3FB5]  }
0x2d: {  	s3 =	simm.s32 $0x108;
	s8 =	sld [smem:$0x3FB6]  }
0x2e: {  	s3 =	simm.s32 @!p0 $0x1082;
	s9 =	sld [smem:$0x3FB7]  }
0x2f: {  	lr =	sadd.s32 s0, s3;
	s0 =	sld [smem:$0x3FAE]  }
0x30: {  	s3 =	sld [smem:$0x3FB1]  }
0x31: {  	[smem:$0x3FBA] =	sst s10  }
0x32: {  	s10 =	sld [smem:$0x3FB8];
	_ =	sdelay $0x3  }
0x33: {  	p0 =	seq.s32 s10, $0x1;
	s10 =	sld [smem:$0x3FBA];
	_ =	sdelay $0x3  }
0x34: {  	[smem:$0x3FBA] =	sst s10  }
0x35: {  	s10 =	sld [smem:$0x3FB9];
	_ =	sdelay $0x3  }
0x36: {  	p1 =	seq.s32 s10, $0x1;
	s10 =	sld [smem:$0x3FBA];
	_ =	sdelay $0x3  }
0x37: {  	[smem:$0x3FBA] =	sst s10  }
0x38: {  	s10 =	sld [smem:$0x3FBB]  }
0x39: {  	_ = 	snop;
	(pc) =	sbr.ind lr, $3  }
0x3a: {  	_ = 	snop  }
0x3b: {  	_ = 	snop  }
0x3c: {  	p2 =	seq.s32 s10, $0x1;
	s10 =	sld [smem:$0x3FBA]  }
0x3d: {  	_ =	shalt  }
0x3e: {  	_ =	shalt  }
0x3f: {  	_ =	shalt  }
0x40: {  	_ =	shalt  }
0x41: {  	_ =	shalt  }
0x42: {  	_ =	shalt  }
0x43: {  	_ =	shalt  }
0x44: {  	_ =	shalt  }
0x45: {  	_ =	shalt  }
0x46: {  	_ =	shalt  }
0x47: {  	_ =	shalt  }
0x48: {  	_ =	shalt  }
0x49: {  	_ =	shalt  }
0x4a: {  	_ =	shalt  }
0x4b: {  	_ =	shalt  }
0x4c: {  	_ =	shalt  }
0x4d: {  	_ =	shalt  }
0x4e: {  	_ =	shalt  }
0x4f: {  	_ =	shalt  }
0x50: {  	_ =	shalt  }
0x51: {  	_ =	shalt  }
0x52: {  	_ =	shalt  }
0x53: {  	_ =	shalt  }
0x54: {  	_ =	shalt  }
0x55: {  	_ =	shalt  }
0x56: {  	_ =	shalt  }
0x57: {  	_ =	shalt  }
0x58: {  	_ =	shalt  }
0x59: {  	_ =	shalt  }
0x5a: {  	_ =	shalt  }
0x5b: {  	_ =	shalt  }
0x5c: {  	_ =	shalt  }
0x5d: {  	_ =	shalt  }
0x5e: {  	_ =	shalt  }
0x5f: {  	_ =	shalt  }
0x60: {  	_ =	shalt  }
0x61: {  	_ =	shalt  }
0x62: {  	_ =	shalt  }
0x63: {  	_ =	shalt  }
0x64: {  	_ =	shalt  }
0x65: {  	_ =	shalt  }
0x66: {  	_ =	shalt  }
0x67: {  	_ =	shalt  }
0x68: {  	_ =	shalt  }
0x69: {  	_ =	shalt  }
0x6a: {  	_ =	shalt  }
0x6b: {  	_ =	shalt  }
0x6c: {  	_ =	shalt  }
0x6d: {  	_ =	shalt  }
0x6e: {  	_ =	shalt  }
0x6f: {  	_ =	shalt  }
0x70: {  	_ =	shalt  }
0x71: {  	_ =	shalt  }
0x72: {  	_ =	shalt  }
0x73: {  	_ =	shalt  }
0x74: {  	_ =	shalt  }
0x75: {  	_ =	shalt  }
0x76: {  	_ =	shalt  }
0x77: {  	_ =	shalt  }
0x78: {  	_ =	shalt  }
0x79: {  	_ =	shalt  }
0x7a: {  	_ =	shalt  }
0x7b: {  	_ =	shalt  }
0x7c: {  	_ =	shalt  }
0x7d: {  	_ =	shalt  }
0x7e: {  	_ =	shalt  }
0x7f: {  	_ =	shalt  }
0x80: {  	_ =	shalt  }
0x81: {  	_ =	shalt  }
0x82: {  	_ =	shalt  }
0x83: {  	_ =	shalt  }
0x84: {  	_ =	shalt  }
0x85: {  	_ =	shalt  }
0x86: {  	_ =	shalt  }
0x87: {  	_ =	shalt  }
.Lfunc_end0:
.L_simem_size_0:
called_computation.2_lowered:
.L_overlay_start_0:
0x88: {  	s2 =	sld [smem:$0x3FD9]  }
0x89: {  	s3 =	sld [smem:$0x3FFE];
	_ =	sdelay $0x1  }
0x8a: {  	s1 =	srdreg.scid  }
0x8b: {  	s0 =	sand.u32 $0x1, s1  }
0x8c: {  	s14 =	sshll.u32 s0, $0xA;
	s2 =	sadd.s32 s3, s2  }
0x8d: {  	s2 =	sadd.s32 s2, s14  }
0x8e: {  	[smem:$0x3FC6] =	sst s2  }
0x8f: {  	_ = 	snop  }
0x90: {  	s2 =	sld [smem:$0x3FD0];
	_ =	sdelay $0x2  }
0x91: {  	s15 =	simm.s32 $0xA;
	s4 =	simm.s32 $0x10  }
0x92: {  	[smem:s4], [sflag:s15] =	dma.local [hbm:s2], $0x1  }
0x93: {  	_ =	swait.eq [sflag:s15], $0x1  }
0x94: {  	[sflag:s15] =	ssyncset.done $0x0  }
0x95: {  	s16 =	sld [smem:$0x10];
	[sflag:s15] =	ssyncadd.s32 $0xFFFFFFFF  }
0x96: {  	s17 =	sld [smem:$0x11];
	(tm) =	ssettm $0x1  }
0x97: {  	s18 =	sld [smem:$0x3FFB];
	_ =	sdelay $0x3  }
0x98: {  	_ =	strace s18  }
0x99: {  	s4 =	sld [smem:$0x3FFC];
	_ =	sdelay $0x3  }
0x9a: {  	_ =	strace s4  }
0x9b: {  	s4 =	sld [smem:$0x3FFD];
	_ =	sdelay $0x3  }
0x9c: {  	_ =	strace s4  }
0x9d: {  	_ =	strace $0x8FFFFFFF  }
0x9e: {  	s19 =	sld [smem:$0x3FDB];
	_ =	sdelay $0x1  }
0x9f: {  	s5 =	simm.s32 $_scs_section_size  }
0xa0: {  	s6 =	simm.s32 $_size__tile_overlayer_lowered;
	s7 =	simm.s32 $_tile_overlayer_lowered  }
0xa1: {  	s22 =	simm.s32 $0x1BFF;
	s21 =	sshll.u32 s7, $0x1;
	s4 =	sadd.s32 s5, s19  }
0xa2: {  	s8 =	simm.s32 $0x0;
	s20 =	sshll.u32 s6, $0x1;
	s6 =	sadd.s32 s21, s4  }
0xa3: {  	[timem:s8], [sflag:s22] =	dma.local [hbm:s6], s20  }
0xa4: {  	_ =	swait.ge [sflag:s22], s20  }
0xa5: {  	s5 =	ssub.s32 $0x0, s20;
	[sflag:s22] =	ssyncset.done $0x0  }
0xa6: {  	[sflag:s22] =	ssyncadd.s32 s5;
	_ =	sdelay $0x1  }
0xa7: {  	s23 =	simm.s32 $0x1B8B  }
0xa8: {  	_ =	swait.ge [sflag:s23], $0x1  }
0xa9: {  	[sflag:s23] =	ssyncset.done $0x0  }
0xaa: {  	s25 =	simm.s32 $0x1B8E;
	s24 =	sld [smem:$0x3FFE];
	[sflag:s23] =	ssyncadd.s32 $0xFFFFFFFF  }
0xab: {  	s26 =	simm.s32 $execute0_lowered;
	[smem:$0x3FD2] =	sst s25  }
0xac: {  	s6 =	sshll.u32 s26, $0x1;
	_ =	strace $0x80000049;
	[dreg:$0x1] =	wrdreg $0xFFFFFFFF  }
0xad: {  	s28 =	simm.s32 $_size_execute0_lowered;
	s4 =	sadd.s32 s4, s6;
	[dreg:$0x0] =	wrdreg $0x0  }
0xae: {  	s6 =	sshll.u32 s28, $0x1;
	[dreg:$0x2] =	wrdreg s4  }
0xaf: {  	[dreg:$0x3] =	wrdreg s6  }
0xb0: {  	[dreg:$0x4] =	wrdreg $0xC0  }
0xb1: {  	_ =	task [dreg:s8], $0x5FFFF  }
0xb2: {  	[dreg:$0x1] =	wrdreg $0xFFFFFFFF  }
0xb3: {  	[dreg:$0x0] =	wrdreg $0x60  }
0xb4: {  	[dreg:$0x2] =	wrdreg s24  }
0xb5: {  	[dreg:$0x3] =	wrdreg s16  }
0xb6: {  	[dreg:$0x4] =	wrdreg s17  }
0xb7: {  	[dreg:$0x5] =	wrdreg $0x9  }
0xb8: {  	_ =	task.clear_ibuf [dreg:s8], $0x6FFFF;
	_ =	strace $0x90000049  }
0xb9: {  	s29 =	simm.s32 $0x9;
	_ =	strace $0x8000004B  }
0xba: {  	_ =	swait.ge [sflag:s29], $0x1  }
0xbb: {  	[sflag:s29] =	ssyncadd.s32 $0xFFFFFFFF  }
0xbc: {  	_ =	strace $0x9000004B  }
0xbd: {  	_ =	sfence  }
0xbe: {  	s30 =	sld [smem:$0x0];
	_ =	sdelay $0x2  }
0xbf: {  	s31 =	sshll.u32 s1, $0xD;
	s1 =	sshrl.u32 s1, $0x2  }
0xc0: {  	s3 =	sand.u32 $0x4000, s31;
	s1 =	sadd.s32 s1, s30  }
0xc1: {  	s0 =	sor.u32 s3, s0;
	s1 =	sshll.u32 s1, $0x11  }
0xc2: {  	s0 =	sor.u32 s1, s0  }
0xc3: {  	s0 =	sadd.s32 $0x8F2B, s0  }
0xc4: {  	[sflag:s0] =	ssyncadd.remote.s32 $0x1  }
0xc5: {  	_ =	sfence.sel $0xFFFF  }
0xc6: {  	[dreg:$0x0] =	wrdreg $0xFFFFFFFF;
	(pc) =	sbr.abs _section_cstart, $3  }
0xc7: {  	[dreg:$0x1] =	wrdreg $0xFFFFFFFF  }
0xc8: {  	_ =	task.clear_ibuf [dreg:s8], $0x2FFFF;
	_ =	strace $0x9FFFFFFF  }
0xc9: {  	(tm) =	ssettm $0x7FFFFFFF  }
tec
execute0_lowered:
.L_overlay_start_1:
0x0: {  	(tag) =	ssettag $0x1  }
0x1: {  	s3 =	rddreg [dreg:$0x0]  }
0x2: {  	s6 =	rddreg [dreg:$0x1]  }
0x3: {  	s12 =	rddreg [dreg:$0x2]  }
0x4: {  	s2 =	simm.s32 $0x0;
	s1 =	stileid.u32;
	s4 =	srdreg.scid  }
0x5: {  	s15 =	simm.s32 $0x2000;
	s16 =	simm.s32 $0x3000;
	s17 =	simm.s32 $0x3100  }
0x6: {  	s18 =	simm.s32 $0x3200;
	s19 =	simm.s32 $0x3300;
	s20 =	simm.s32 $0x80  }
0x7: {  	s22 =	simm.s32 $0x1;
	s23 =	simm.s32 $0x0;
	[smem:$0x7FF] =	sst s2  }
0x8: {  	s9 =	sshrl.u32 s1, $0x1;
	s13 =	sand.u32 $0x1, s4;
	s5 =	sshll.u32 s1, $0x9  }
0x9: {  	s14 =	sshll.u32 s1, $0x11;
	s29 =	smul.u32 $0x3000, s9;
	s7 =	sshll.u32 s13, $0x8  }
0xa: {  	_ =	strace $0x8000004A;
	s30 =	smul.u32 $0xC00, s9;
	s8 =	ssub.s32 $0x2, s13  }
0xb: {  	s9 =	sshll.u32 s9, $0xC;
	s12 =	sadd.s32 s14, s12;
	s13 =	sshll.u32 s13, $0x10  }
0xc: {  	s14 =	simm.s32 $0x1000;
	s5 =	sor.u32 s7, s5;
	s31 =	sshrl.u32 s8, $0x1  }
0xd: {  	s21 =	sor.u32 $0x400, s9;
	s12 =	sadd.s32 s13, s12;
	s13 =	simm.s32 $0x2  }
0xe: {  	s4 =	sshrl.u32 s29, $0x3;
	s5 =	sand.u32 $0x300, s5;
	s11 =	ssub.s32 s8, s31  }
0xf: {  	v0 =	vmov s21;
	s21 =	simm.s32 $0x5300;
	s10 =	sadd.s32 s4, s3;
	s5 =	sor.u32 s30, s5  }
0x10: {  	s3 =	sadd.s32 $0x4800, s3;
	s11 =	smax.u32 s11, $0x1;
	s7 =	sshrl.u32 s5, $0x3  }
0x11: {  	s4 =	sadd.s32 $0x1800, s10;
	s5 =	sadd.s32 $0x1A00, s10;
	s6 =	sadd.s32 s6, s7  }
0x12: {  	v1 =	vimm.s32 $0x0;
	v2 =	vlaneseq.u32;
	s7 =	sadd.s32 $0x1C00, s10;
	s8 =	sadd.s32 $0x80, s6;
	s10 =	sadd.s32 $0x100, s6  }
.LBB2_1:
0x13: {  	[tilespmem:s2], [sflag:$0x2] =	stream.linear.gather [hbm4b:s4+s2], $0x1000, $0x38;
	[tilespmem:$0x7300] =	vst v63  }
0x14: {  	_ =	swait.ge [sflag:s13], $0x1000  }
0x15: {  	[sflag:s13] =	ssyncset.done $0x0  }
0x16: {  	[sflag:s13] =	ssyncadd.s32 $0xFFFFF000  }
0x17: {  	[tilespmem:s14], [sflag:$0x2] =	stream.linear.gather [hbm4b:s5+s2], $0x1000, $0x38;
	[tilespmem:$0x7300] =	vst v63  }
0x18: {  	_ =	swait.ge [sflag:s13], $0x1000  }
0x19: {  	[sflag:s13] =	ssyncset.done $0x0  }
0x1a: {  	[sflag:s13] =	ssyncadd.s32 $0xFFFFF000  }
0x1b: {  	[tilespmem:s15], [sflag:$0x2] =	stream.linear.gather [hbm4b:s7+s2], $0x1000, $0x38;
	[tilespmem:$0x7300] =	vst v63  }
0x1c: {  	_ =	swait.ge [sflag:s13], $0x1000  }
0x1d: {  	[sflag:s13] =	ssyncset.done $0x0  }
0x1e: {  	[sflag:s13] =	ssyncadd.s32 $0xFFFFF000  }
0x1f: {  	[tilespmem:s16], [sflag:$0x2] =	stream.linear.gather [hbm4b:s6+s2], $0x100, $0x38;
	[tilespmem:$0x7300] =	vst v63  }
0x20: {  	_ =	swait.ge [sflag:s13], $0x100  }
0x21: {  	[sflag:s13] =	ssyncset.done $0x0  }
0x22: {  	[sflag:s13] =	ssyncadd.s32 $0xFFFFFF00  }
0x23: {  	[tilespmem:s17], [sflag:$0x2] =	stream.linear.gather [hbm4b:s8+s2], $0x100, $0x38;
	[tilespmem:$0x7300] =	vst v63  }
0x24: {  	_ =	swait.ge [sflag:s13], $0x100  }
0x25: {  	[sflag:s13] =	ssyncset.done $0x0  }
0x26: {  	[sflag:s13] =	ssyncadd.s32 $0xFFFFFF00  }
0x27: {  	[tilespmem:s18], [sflag:$0x2] =	stream.linear.gather [hbm4b:s10+s2], $0x100, $0x38;
	[tilespmem:$0x7300] =	vst v63  }
0x28: {  	_ =	swait.ge [sflag:s13], $0x100  }
0x29: {  	[sflag:s13] =	ssyncset.done $0x0  }
0x2a: {  	s24 =	simm.s32 $0x0;
	[sflag:s13] =	ssyncadd.s32 $0xFFFFFF00  }
.LBB2_2:
0x2b: {  	v5 =	vmov s24;
	_ =	sdelay $0x4  }
0x2c: {  	v3 =	vld.idx.msk [tilespmem:v5+s16+$0x0], $0xffff  }
0x2d: {  	s26 =	sshll.u32 s24, $0x5;
	s28 =	sshllo.u32 s24, $0x5;
	v4 =	vld.idx.msk [tilespmem:v5+s17+$0x0], $0xffff  }
0x2e: {  	s30 =	simm.s32 $0x0;
	s25 =	simm.s32 $0x1000;
	s29 =	smov.u32 s9;
	v5 =	vld.idx.msk [tilespmem:v5+s18+$0x0], $0xffff;
	[tilespmem:s26+$0x3300] =	vst v0  }
0x2f: {  	s31 =	simm.s32 $0x0;
	v6 =	vmov s26;
	v7 =	vmov s28;
	s28 =	simm.s32 $0x0;
	[tilespmem:s26+$0x3310] =	vst v0;
	s26 =	simm.s32 $0x2000  }
.LBB2_3:
0x30: {  	v8 =	vld [tilespmem:s28+$0x0]  }
0x31: {  	v9 =	vld [tilespmem:s26+$0x0];
	_ =	sdelay $0x1  }
0x32: {  	v10 =	vld [tilespmem:s25+$0x0];
	_ =	sdelay $0x2  }
0x33: {  	v8 =	vsub.f32 v8, v3;
	v9 =	vsub.f32 v9, v5;
	_ =	sdelay $0x1  }
0x34: {  	v10 =	vsub.f32 v10, v4;
	v8 =	vmul.f32 v8, v8;
	v9 =	vmul.f32 v9, v9;
	_ =	sdelay $0x1  }
0x35: {  	v62 =	vmul.f32 v10, v10;
	v8 =	vadd.f32 v9, v8;
	_ =	sdelay $0x1  }
0x36: {  	v8 =	vadd.f32 v8, v62;
	_ =	sdelay $0x1  }
0x37: {  	vm0 =	vlt.f32 v8, $3.999999910e-02  }
0x38: {  	v8 =	vsel vm0, $0x1, v1  }
0x39: {  	(xrf0) =	vadd.scan.msk.s32 $0xffff, v8;
	_ =	sdelay $0x5  }
0x3a: {  	v8, _, _ =	vpop (xrf0)  }
0x3b: {  	(v2sf) =	vpush v8, $0xF;
	_ =	sdelay $0xd  }
0x3c: {  	s0 =	sadd.s32 $0xFFFFFFFF, s31  }
0x3d: {  	v8 =	vadd.s32 s0, v8;
	s0 =	spop (v2sf)  }
0x3e: {  	p0 =	sgt.u32 s30, $0xFE;
	vm1 =	vlt.s32 v8, $0x20;
	s31 =	sadd.s32 s31, s0  }
0x3f: {  	v8 =	vadd.s32 v6, v8;
	vm0 =	vmand vm0, vm1;
	p1 =	slt.s32 @!p0 s31, $0x20  }
0x40: {  	v8 =	vsel vm0, v8, v7;
	p0 =	por p0, !p1  }
.Ltmp0:
0x41: {  	_ = 	snop;
	(pc) =	sbr.rel @!p0 .LBB2_3-.Ltmp0, $3  }
0x42: {  	_ =	sdelay $0x1  }
0x43: {  	v63 =	vor.u32 s29, v2;
	s30 =	sadd.s32 $0x1, s30;
	s29 =	sadd.s32 $0x10, s29  }
0x44: {  	s28 =	sadd.s32 $0x10, s28;
	s25 =	sadd.s32 $0x10, s25;
	s26 =	sadd.s32 $0x10, s26;
	[tilespmem:v8+s19+$0x0] =	vst.idx.msk vm0, v63  }
0x45: {  	s24 =	sadd.s32 $0x1, s24  }
0x46: {  	p0 =	sne.s32 s24, $0x100  }
.Ltmp1:
0x47: {  	_ = 	snop;
	(pc) =	sbr.rel @p0 .LBB2_2-.Ltmp1, $1  }
0x48: {  	_ =	sdelay $0x3  }
0x49: {  	s0 =	simm.s32 $0x3300  }
0x4a: {  	[tilespmem:s21], [sflag:$0x1] =	stream.indirect.gather [hbm4b:s3+s20], $0x40, s0, s20, $0xb8;
	[tilespmem:$0x7300] =	vst v63  }
0x4b: {  	_ =	swait.ge [sflag:s22], $0x2000  }
0x4c: {  	[sflag:s22] =	ssyncset.done $0x0  }
0x4d: {  	[sflag:s22] =	ssyncadd.s32 $0xFFFFE000  }
0x4e: {  	[hbm4b:s12+s2] =	stream.linear.scatter [tilespmem:s21], [sflag:$0x2], $0x2000, $0x38;
	[tilespmem:$0x7300] =	vst v63  }
0x4f: {  	s25 =	simm.s32 $0x400;
	_ =	swait.ge [sflag:s13], $0x2000  }
0x50: {  	s26 =	simm.s32 $0x80;
	s24 =	sadd.s32 $0x400, s12;
	[sflag:s13] =	ssyncset.done $0x0  }
.LBB2_6:
0x51: {  	s0 =	sadd.s32 $0x3300, s26  }
0x52: {  	[sflag:s13] =	ssyncadd.s32 $0xFFFFE000;
	s26 =	smov.u32 s25;
	s28 =	sadd.s32 $0x200, s25  }
0x53: {  	[tilespmem:s21], [sflag:$0x1] =	stream.indirect.gather [hbm4b:s3+s20], $0x40, s0, s20, $0xb8;
	[tilespmem:$0x7300] =	vst v63  }
0x54: {  	p0 =	sne.s32 s25, $0x7E00;
	_ =	swait.ge [sflag:s22], $0x2000  }
.Ltmp2:
0x55: {  	[sflag:s22] =	ssyncset.done $0x0;
	(pc) =	sbr.rel @p0 .LBB2_6-.Ltmp2, $4  }
0x56: {  	[sflag:s22] =	ssyncadd.s32 $0xFFFFE000  }
0x57: {  	[hbm4b:s24+s2] =	stream.linear.scatter [tilespmem:s21], [sflag:$0x2], $0x2000, $0x38;
	[tilespmem:$0x7300] =	vst v63  }
0x58: {  	s26 =	sshra.s32 s26, $0x2;
	_ =	swait.ge [sflag:s13], $0x2000  }
0x59: {  	s25 =	smov.u32 s28;
	s24 =	sadd.s32 $0x400, s24;
	[sflag:s13] =	ssyncset.done $0x0  }
0x5a: {  	s0 =	sadd.s32 $0x3300, s26;
	[sflag:s13] =	ssyncadd.s32 $0xFFFFE000  }
0x5b: {  	[tilespmem:s21], [sflag:$0x1] =	stream.indirect.gather [hbm4b:s3+s20], $0x40, s0, s20, $0xb8;
	[tilespmem:$0x7300] =	vst v63  }
0x5c: {  	s23 =	sadd.s32 $0x1, s23;
	_ =	swait.ge [sflag:s22], $0x2000  }
0x5d: {  	p0 =	sne.s32 s23, s11;
	[sflag:s22] =	ssyncset.done $0x0  }
.Ltmp3:
0x5e: {  	[sflag:s22] =	ssyncadd.s32 $0xFFFFE000;
	(pc) =	sbr.rel @p0 .LBB2_1-.Ltmp3, $4  }
0x5f: {  	[hbm4b:s24+s2] =	stream.linear.scatter [tilespmem:s21], [sflag:$0x2], $0x2000, $0x38;
	[tilespmem:$0x7300] =	vst v63  }
0x60: {  	_ =	swait.ge [sflag:s13], $0x2000  }
0x61: {  	[sflag:s13] =	ssyncset.done $0x0  }
0x62: {  	[sflag:s13] =	ssyncadd.s32 $0xFFFFE000  }
0x63: {  	_ =	sfence.sel $0x180000  }
0x64: {  	[bflag:$0x0] =	sbarrier.arrive $0xFFFF  }
0x65: {  	_ =	strace $0x9000004A  }
0x66: {  	[bflag:$0x2] =	sbarrier.arrive $0xFFFF  }
0x67: {  	p0 =	sne.s32 s1, $0x0;
	s0 =	rddreg [dreg:$0x3]  }
0x68: {  	s0 =	sadd.s32 @!p0 $0x100000, s0  }
0x69: {  	[sflag:s0] =	ssyncadd.tile.s32 @!p0 $0x1;
	_ =	shalt  }
.Lfunc_end2:
_tile_overlayer_lowered:
.L_overlay_start_2:
0x6a: {  	(tag) =	ssettag $0x2  }
0x6b: {  	s0 =	rddreg [dreg:$0x0];
	s2 =	stileid.u32  }
0x6c: {  	s1 =	rddreg [dreg:$0x1];
	p0 =	sne.s32 s2, $0x0  }
0x6d: {  	s3 =	rddreg [dreg:$0x2];
	[bflag:$0x3] =	sbarrier.arrive $0xFFFF;
	s2 =	simm.s32 @!p0 $0x1C02  }
0x6e: {  	[timem:s3], [sflag:s2] =	dma.local @!p0 [hbm:s0], s1  }
0x6f: {  	s0 =	simm.s32 @!p0 $0x2  }
0x70: {  	_ =	swait.ge @!p0 [sflag:s0], s1  }
0x71: {  	s1 =	ssub.s32 @!p0 $0x0, s1;
	[sflag:s0] =	ssyncset.done @!p0 $0x0  }
0x72: {  	[sflag:s0] =	ssyncadd.s32 @!p0 s1  }
0x73: {  	[bflag:$0x3] =	sbarrier.arrive $0xFFFF  }
0x74: {  	_ =	shalt  }

// kernel: sparse-core-data-format-call.cloned.1.call-start
scs
called_computation_lowered:
.L_overlay_start_0:
0x0: {  	s2 =	sld [smem:$0x3FD9]  }
0x1: {  	s3 =	sld [smem:$0x3FFE];
	_ =	sdelay $0x1  }
0x2: {  	s1 =	srdreg.scid  }
0x3: {  	s0 =	sand.u32 $0x1, s1  }
0x4: {  	s15 =	sshll.u32 s0, $0xA;
	s2 =	sadd.s32 s3, s2  }
0x5: {  	s2 =	sadd.s32 s2, s15  }
0x6: {  	[smem:$0x3FC6] =	sst s2  }
0x7: {  	_ = 	snop  }
0x8: {  	s2 =	sld [smem:$0x3FD0];
	_ =	sdelay $0x2  }
0x9: {  	s16 =	simm.s32 $0xA;
	s4 =	simm.s32 $0x10  }
0xa: {  	[smem:s4], [sflag:s16] =	dma.local [hbm:s2], $0x1  }
0xb: {  	_ =	swait.eq [sflag:s16], $0x1  }
0xc: {  	[sflag:s16] =	ssyncset.done $0x0  }
0xd: {  	[sflag:s16] =	ssyncadd.s32 $0xFFFFFFFF  }
0xe: {  	s17 =	sld [smem:$0x11];
	(tm) =	ssettm $0x1  }
0xf: {  	s18 =	sld [smem:$0x3FFB];
	_ =	sdelay $0x3  }
0x10: {  	_ =	strace s18  }
0x11: {  	s3 =	sld [smem:$0x3FFC];
	_ =	sdelay $0x3  }
0x12: {  	_ =	strace s3  }
0x13: {  	s3 =	sld [smem:$0x3FFD];
	_ =	sdelay $0x3  }
0x14: {  	_ =	strace s3  }
0x15: {  	_ =	strace $0x8FFFFFFF  }
0x16: {  	s19 =	sld [smem:$0x3FDB];
	_ =	sdelay $0x1  }
0x17: {  	s20 =	simm.s32 $_scs_section_size  }
0x18: {  	s5 =	simm.s32 $_size__tile_overlayer_lowered;
	s6 =	simm.s32 $_tile_overlayer_lowered  }
0x19: {  	s23 =	simm.s32 $0x1BFF;
	s22 =	sshll.u32 s6, $0x1;
	s3 =	sadd.s32 s20, s19  }
0x1a: {  	s7 =	simm.s32 $0x0;
	s21 =	sshll.u32 s5, $0x1;
	s5 =	sadd.s32 s22, s3  }
0x1b: {  	[timem:s7], [sflag:s23] =	dma.local [hbm:s5], s21  }
0x1c: {  	_ =	swait.ge [sflag:s23], s21  }
0x1d: {  	s4 =	ssub.s32 $0x0, s21;
	[sflag:s23] =	ssyncset.done $0x0  }
0x1e: {  	[sflag:s23] =	ssyncadd.s32 s4;
	_ =	sdelay $0x1  }
0x1f: {  	s24 =	simm.s32 $0x1B8B  }
0x20: {  	_ =	swait.ge [sflag:s24], $0x1  }
0x21: {  	[sflag:s24] =	ssyncset.done $0x0  }
0x22: {  	s26 =	simm.s32 $0x1B8E;
	s25 =	sld [smem:$0x3FFE];
	[sflag:s24] =	ssyncadd.s32 $0xFFFFFFFF  }
0x23: {  	s27 =	simm.s32 $execute0_lowered;
	[smem:$0x3FD2] =	sst s26  }
0x24: {  	s5 =	sshll.u32 s27, $0x1;
	_ =	strace $0x8000004C;
	[dreg:$0x1] =	wrdreg $0xFFFFFFFF  }
0x25: {  	s28 =	simm.s32 $_size_execute0_lowered;
	s3 =	sadd.s32 s3, s5;
	[dreg:$0x0] =	wrdreg $0x0  }
0x26: {  	s5 =	sshll.u32 s28, $0x1;
	[dreg:$0x2] =	wrdreg s3  }
0x27: {  	[dreg:$0x3] =	wrdreg s5  }
0x28: {  	[dreg:$0x4] =	wrdreg $0xC0  }
0x29: {  	_ =	task [dreg:s7], $0x5FFFF  }
0x2a: {  	[dreg:$0x1] =	wrdreg $0xFFFFFFFF  }
0x2b: {  	[dreg:$0x0] =	wrdreg $0x60  }
0x2c: {  	[dreg:$0x2] =	wrdreg s25  }
0x2d: {  	[dreg:$0x3] =	wrdreg s17  }
0x2e: {  	[dreg:$0x4] =	wrdreg $0x9  }
0x2f: {  	_ =	task.clear_ibuf [dreg:s7], $0x5FFFF;
	_ =	strace $0x9000004C  }
0x30: {  	s29 =	simm.s32 $0x9;
	_ =	strace $0x8000004E  }
0x31: {  	_ =	swait.ge [sflag:s29], $0x1  }
0x32: {  	[sflag:s29] =	ssyncadd.s32 $0xFFFFFFFF  }
0x33: {  	_ =	strace $0x9000004E  }
0x34: {  	_ =	sfence  }
0x35: {  	s30 =	sld [smem:$0x0];
	_ =	sdelay $0x2  }
0x36: {  	s31 =	sshll.u32 s1, $0xD;
	s1 =	sshrl.u32 s1, $0x2  }
0x37: {  	s3 =	sand.u32 $0x4000, s31;
	s1 =	sadd.s32 s1, s30  }
0x38: {  	s0 =	sor.u32 s3, s0;
	s1 =	sshll.u32 s1, $0x11  }
0x39: {  	s0 =	sor.u32 s1, s0  }
0x3a: {  	s0 =	sadd.s32 $0x8F2B, s0  }
0x3b: {  	[sflag:s0] =	ssyncadd.remote.s32 $0x1  }
0x3c: {  	_ =	sfence.sel $0xFFFF  }
0x3d: {  	[dreg:$0x0] =	wrdreg $0xFFFFFFFF;
	(pc) =	sbr.abs _section_cstart, $3  }
0x3e: {  	[dreg:$0x1] =	wrdreg $0xFFFFFFFF  }
0x3f: {  	_ =	task.clear_ibuf [dreg:s7], $0x2FFFF;
	_ =	strace $0x9FFFFFFF  }
0x40: {  	(tm) =	ssettm $0x7FFFFFFF  }
0x41: {  	_ =	shalt  }
tec
execute0_lowered:
.L_overlay_start_1:
0x0: {  	(tag) =	ssettag $0x1  }
0x1: {  	s0 =	stileid.u32;
	s4 =	rddreg [dreg:$0x0]  }
0x2: {  	s1 =	srdreg.scid;
	s3 =	rddreg [dreg:$0x1];
	s7 =	simm.s32 $0x1  }
0x3: {  	s31 =	simm.s32 $0x2;
	s2 =	sshll.u32 s0, $0x4;
	s1 =	sshll.u32 s1, $0x8  }
0x4: {  	s15 =	simm.s32 $0x0;
	s9 =	simm.s32 $0x2000;
	s1 =	sor.u32 s2, s1  }
0x5: {  	s14 =	simm.s32 $0x0;
	s16 =	simm.s32 $0x0;
	s2 =	sand.u32 $0x180, s1  }
0x6: {  	s10 =	simm.s32 $0x0;
	s13 =	simm.s32 $0x0;
	s5 =	ssub.s32 $0x400, s2  }
0x7: {  	s4 =	sadd.s32 $0x1800, s4;
	s1 =	rddreg [dreg:$0x2];
	s6 =	sand.u32 $0x180, s5  }
.Ltmp0:
0x8: {  	_ =	strace $0x8000004D;
	p0 =	sne.s32 s6, $0x0;
	(pc) =	sbr.rel .LBB1_1-.Ltmp0, $4  }
0x9: {  	s11 =	smov.u32 s2;
	s8 =	sshrl.u32 s5, $0x9;
	s7 =	simm.s32 @!p0 $0x0  }
0xa: {  	s5 =	sand.u32 $0x7, s0;
	s6 =	simm.s32 $0x1;
	s7 =	sadd.s32 s7, s8  }
0xb: {  	s12 =	smov.u32 s5;
	[sflag:s6] =	ssyncpa.u1 $0x0;
	s7 =	sshll.u32 s7, $0x5  }
0xc: {  	p0 =	por $0x0, $0x0;
	[sflag:s31] =	ssyncpa.u1 $0x0;
	s8 =	sor.u32 $0x1, s7  }
.LBB1_4:
0xd: {  	s16 =	sshll.u32 s16, $0x12  }
0xe: {  	s19 =	sand.u32 $0x1F80, s14;
	s15 =	sshll.u32 s15, $0xD;
	s16 =	sadd.s32 s3, s16  }
0xf: {  	[tilespmem:s18+$0x810 ss:$0x81] =	vst.msk $0xffff, v2;
	s20 =	sshrl.u32 s14, $0x3;
	s30 =	sand.u32 $0x7, s14;
	s16 =	sadd.s32 s19, s16  }
0x10: {  	[tilespmem:s18+$0x1020 ss:$0x81] =	vst.msk $0xffff, v0;
	s31 =	sand.u32 $0xF, s20;
	s14 =	sshll.u32 s30, $0x12;
	s15 =	sadd.s32 s15, s16  }
0x11: {  	[tilespmem:s18+$0x0 ss:$0x81] =	vst.msk $0xffff, v1;
	s14 =	sor.u32 $0x400, s14;
	s15 =	sadd.s32 s31, s15  }
0x12: {  	[hbm4b:s15+s14] =	stream.strided.scatter [tilespmem:s17], [sflag:$0x2], $0x2000, s9, s14, $0x20;
	[tilespmem:$0x8080] =	vst v63  }
.LBB1_5:
0x13: {  	s17 =	sadd.s32 $0x1, s10  }
0x14: {  	s14 =	sadd.s32 $0x200, s11;
	s18 =	smov.u32 s11;
	p2 =	sgt.s32 s17, $0x1F  }
0x15: {  	s18 =	smov.u32 @p2 s14  }
0x16: {  	s20 =	smov.u32 s12;
	s14 =	sadd.s32 $0x8, s12;
	p3 =	sgt.s32 s18, $0x3FF  }
0x17: {  	s20 =	smov.u32 @p3 s14  }
0x18: {  	s17 =	simm.s32 @p2 $0x0;
	p2 =	sgt.s32 s20, $0x7  }
0x19: {  	p1 =	slt.u32 s13, $0x2;
	s20 =	smov.u32 @p2 s5;
	p2 =	sne.s32 s13, s8  }
.Ltmp1:
0x1a: {  	s19 =	simm.s32 @!p1 $0x2;
	(pc) =	sbr.rel @!p2 .LBB1_6-.Ltmp1, $4  }
0x1b: {  	s15 =	smov.u32 s10;
	s16 =	smov.u32 s12;
	_ =	swait.ge @!p1 [sflag:s19], $0x2000  }
0x1c: {  	p0 =	por !p0, !p0;
	[sflag:s19] =	ssyncset.done @!p1 $0x0;
	s10 =	smov.u32 s17  }
0x1d: {  	s18 =	smov.u32 @p3 s2;
	s14 =	smov.u32 s11;
	[sflag:s19] =	ssyncadd.s32 @!p1 $0xFFFFE000  }
0x1e: {  	s11 =	smov.u32 s18;
	s13 =	sadd.s32 $0x1, s13;
	s12 =	smov.u32 s20  }
.LBB1_1:
0x1f: {  	p1 =	sge.u32 s13, s7;
	s31 =	sadd.s32 $0xFFFFFFFF, s13  }
0x20: {  	s17 =	sxor.u32 @!p1 $0xFFFFFFFF, s13;
	s18 =	sshll.u32 @!p1 s12, $0x13;
	s19 =	sshll.u32 @!p1 s11, $0x9  }
0x21: {  	s20 =	sshll.u32 @!p1 s10, $0x4;
	s17 =	sshll.u32 @!p1 s17, $0xD;
	s18 =	sadd.s32 @!p1 s4, s18  }
0x22: {  	s20 =	sand.u32 @!p1 $0x1F0, s20;
	s17 =	sand.u32 @!p1 $0x2000, s17;
	s18 =	sadd.s32 @!p1 s19, s18  }
0x23: {  	s19 =	simm.s32 @!p1 $0x40;
	s18 =	sadd.s32 @!p1 s20, s18;
	s20 =	simm.s32 @!p1 $0x1000  }
0x24: {  	[tilespmem:s17], [sflag:$0x1] =	stream.strided.gather @!p1 [hbm4b:s18+s19], $0x2000, s20, s19, $0x38;
	[tilespmem:$0x8080] =	vst v63  }
0x25: {  	p1 =	sge.u32 s31, s7  }
.Ltmp2:
0x26: {  	_ = 	snop;
	(pc) =	sbr.rel @p1 .LBB1_5-.Ltmp2, $1  }
0x27: {  	_ =	sdelay $0x3  }
0x28: {  	s17 =	simm.s32 $0x1  }
0x29: {  	_ =	swait.ge [sflag:s6], $0x2000;
	s17 =	simm.s32 @!p0 $0x0  }
0x2a: {  	[sflag:s6] =	ssyncset.done $0x0;
	s18 =	sshll.u32 s17, $0xD  }
0x2b: {  	[sflag:s6] =	ssyncadd.s32 $0xFFFFE000;
	s21 =	sor.u32 $0x20, s18  }
0x2c: {  	s17 =	smul.u32 $0x8100, s17;
	v3 =	vld [tilespmem:s21+$0x10]  }
0x2d: {  	s30 =	sand.u32 $0x1, s13;
	v2 =	vld [tilespmem:s21+$0xFFFFFFF0]  }
0x2e: {  	s18 =	smul.u32 $0x8100, s30;
	s17 =	sshrl.u32 s17, $0x2;
	v0 =	vld [tilespmem:s21+$0x0]  }
0x2f: {  	v1 =	vld [tilespmem:s21+$0xFFFFFFE0];
	s19 =	sor.u32 $0x4000, s17  }
0x30: {  	s31 =	sshrl.u32 s18, $0x2;
	s18 =	sadd.s32 $0x0, s19  }
0x31: {  	s20 =	simm.s32 $0x4;
	s21 =	sadd.s32 $0x40, s21;
	s17 =	sor.u32 $0x4000, s31;
	[tilespmem:s18+$0x1830 ss:$0x81] =	vst.msk $0xffff, v3  }
.LBB1_3:
0x32: {  	v3 =	vld [tilespmem:s21+$0x10];
	p1 =	sne.s32 s20, $0x1FC;
	[tilespmem:s18+$0x810 ss:$0x81] =	vst.msk $0xffff, v2;
	s22 =	smov.u32 s20;
	s20 =	sadd.s32 $0x4, s20  }
.Ltmp3:
0x33: {  	v2 =	vld [tilespmem:s21+$0xFFFFFFF0];
	[tilespmem:s18+$0x1020 ss:$0x81] =	vst.msk $0xffff, v0;
	(pc) =	sbr.rel @p1 .LBB1_3-.Ltmp3, $4  }
0x34: {  	v0 =	vld [tilespmem:s21+$0x0];
	[tilespmem:s18+$0x0 ss:$0x81] =	vst.msk $0xffff, v1  }
0x35: {  	s18 =	sshra.s32 s22, $0x2;
	v1 =	vld [tilespmem:s21+$0xFFFFFFE0]  }
0x36: {  	s18 =	sadd.s32 s18, s19  }
0x37: {  	s21 =	sadd.s32 $0x40, s21;
	[tilespmem:s18+$0x1830 ss:$0x81] =	vst.msk $0xffff, v3  }
.Ltmp4:
0x38: {  	_ = 	snop;
	(pc) =	sbr.rel .LBB1_4-.Ltmp4, $1  }
0x39: {  	_ =	sdelay $0x3  }
.LBB1_6:
0x3a: {  	_ =	sfence.sel $0x180000  }
0x3b: {  	s2 =	simm.s32 $0x1;
	[bflag:$0x0] =	sbarrier.arrive $0xFFFF  }
0x3c: {  	s31 =	simm.s32 $0x2;
	[sflag:s2] =	ssyncpa.u1 $0x1  }
0x3d: {  	[sflag:s31] =	ssyncpa.u1 $0x1  }
0x3e: {  	p0 =	sne.s32 s0, $0x0;
	_ =	strace $0x9000004D  }
0x3f: {  	s0 =	sadd.s32 @!p0 $0x100000, s1;
	[bflag:$0x2] =	sbarrier.arrive $0xFFFF  }
0x40: {  	[sflag:s0] =	ssyncadd.tile.s32 @!p0 $0x1;
	_ =	shalt  }
.Lfunc_end1:
_tile_overlayer_lowered:
.L_overlay_start_2:
0x41: {  	(tag) =	ssettag $0x2  }
0x42: {  	s0 =	rddreg [dreg:$0x0];
	s2 =	stileid.u32  }
0x43: {  	s1 =	rddreg [dreg:$0x1];
	p0 =	sne.s32 s2, $0x0  }
0x44: {  	s3 =	rddreg [dreg:$0x2];
	[bflag:$0x3] =	sbarrier.arrive $0xFFFF;
	s2 =	simm.s32 @!p0 $0x1C01  }
0x45: {  	[timem:s3], [sflag:s2] =	dma.local @!p0 [hbm:s0], s1  }
0x46: {  	s0 =	simm.s32 @!p0 $0x1  }
0x47: {  	_ =	swait.ge @!p0 [sflag:s0], s1  }
0x48: {  	s1 =	ssub.s32 @!p0 $0x0, s1;
	[sflag:s0] =	ssyncset.done @!p0 $0x0  }
0x49: {  	[sflag:s0] =	ssyncadd.s32 @!p0 s1  }
0x4a: {  	[bflag:$0x3] =	sbarrier.arrive $0xFFFF  }
0x4b: {  	_ =	shalt  }

</sc_bundles>
